<compile_context>
chip_gen: v7x
topology: tpu7x:2x2x1
jax: 0.10.2.dev20260603
libtpu: 0.0.44.dev20260713+nightly
codegen_flags: <defaults>
</compile_context>

<pallas_src>
import functools

import jax
import jax.numpy as jnp
from jax import lax
from jax.experimental import pallas as pl
from jax.experimental.pallas import tpu as pltpu
from jax.experimental.pallas import tpu_sc as plsc

CUTOFF = 0.8
EPS_V = 1e-6
LN_EPS = 1e-5

_NC = 2
_NS = 16
_NW = _NC * _NS

_CHUNK = 128


def _sc_gather_body(nchunk, iters, tab_hbm, idx_hbm, ej_hbm,
                    idx_v, rows, sem):
    wid = lax.axis_index("s") * _NC + lax.axis_index("c")

    def step(t, carry):
        ci = wid + _NW * t

        @pl.when(ci < nchunk)
        def _():
            off = ci * _CHUNK
            pltpu.sync_copy(idx_hbm.at[pl.ds(off, _CHUNK)], idx_v)
            pltpu.async_copy(tab_hbm.at[idx_v], rows, sem).wait()
            pltpu.sync_copy(rows, ej_hbm.at[pl.ds(off, _CHUNK)])

        return carry

    lax.fori_loop(0, iters, step, 0)


def _sc_gather(table, idxg):
    e = idxg.shape[0]
    cols = table.shape[1]
    nchunk = e // _CHUNK
    iters = -(-nchunk // _NW)
    body = functools.partial(_sc_gather_body, nchunk, iters)
    fn = pl.kernel(
        body,
        out_type=jax.ShapeDtypeStruct((e, cols), jnp.float32),
        mesh=plsc.VectorSubcoreMesh(core_axis_name="c", subcore_axis_name="s"),
        scratch_types=[
            pltpu.VMEM((_CHUNK,), jnp.int32),
            pltpu.VMEM((_CHUNK, cols), jnp.float32),
            pltpu.SemaphoreType.DMA,
        ],
    )
    return fn(table, idxg)


def _tc_body(n_t, n_k, s_dim,
             si_ref, vi_ref, ej_ref, rbf_ref, ru_ref, d_ref,
             a1i_ref, a1j_ref, a1r_ref, b1_ref,
             a2ss_ref, a2sv_ref, a2vv_ref, a2vs_ref,
             b2ss_ref, b2sv_ref, b2vv_ref, b2vs_ref,
             avs_ref, asv_ref, au1_ref, bu1_ref, au2_ref, bu2_ref,
             avm_ref, gs_ref, bs_ref, gv_ref, bv_ref,
             so_ref, vx_ref, vy_ref, vz_ref):
    f32 = jnp.float32
    si = si_ref[...]
    ej = ej_ref[...]
    sj = ej[:, :s_dim]
    vj = ej[:, s_dim:]
    rbf = rbf_ref[...]
    ru = ru_ref[...]
    dist = d_ref[...]
    v_dim = avm_ref.shape[0]

    t_i = jnp.dot(si, a1i_ref[...], preferred_element_type=f32)
    t_i = jnp.broadcast_to(t_i[:, None, :], (n_t, n_k, t_i.shape[1]))
    t_i = t_i.reshape(n_t * n_k, -1)
    pre = (t_i
           + jnp.dot(sj, a1j_ref[...], preferred_element_type=f32)
           + jnp.dot(rbf, a1r_ref[...], preferred_element_type=f32)
           + b1_ref[...])
    h = pre * jax.nn.sigmoid(pre)

    g_ss = jnp.dot(h, a2ss_ref[...], preferred_element_type=f32) + b2ss_ref[...]
    g_sv = jnp.dot(h, a2sv_ref[...], preferred_element_type=f32) + b2sv_ref[...]
    g_vv = jnp.dot(h, a2vv_ref[...], preferred_element_type=f32) + b2vv_ref[...]
    g_vs = jnp.dot(h, a2vs_ref[...], preferred_element_type=f32) + b2vs_ref[...]

    rux = ru[:, 0:1]
    ruy = ru[:, 1:2]
    ruz = ru[:, 2:3]
    vjx = vj[:, 0 * v_dim:1 * v_dim]
    vjy = vj[:, 1 * v_dim:2 * v_dim]
    vjz = vj[:, 2 * v_dim:3 * v_dim]

    vproj = vjx * rux + vjy * ruy + vjz * ruz
    vps = jnp.dot(vproj, avs_ref[...], preferred_element_type=f32)

    mask = (dist < CUTOFF).astype(f32)
    scalar_edge = (g_ss * sj + g_sv * vps) * mask

    stv = jnp.dot(sj, asv_ref[...], preferred_element_type=f32)
    vex = (g_vv * vjx + g_vs * (stv * rux)) * mask
    vey = (g_vv * vjy + g_vs * (stv * ruy)) * mask
    vez = (g_vv * vjz + g_vs * (stv * ruz)) * mask

    mcnt = mask.reshape(n_t, n_k, 1).sum(axis=1)
    denom = jnp.maximum(mcnt, 1.0)
    sm = scalar_edge.reshape(n_t, n_k, -1).sum(axis=1) / denom
    vmx = vex.reshape(n_t, n_k, -1).sum(axis=1) / denom
    vmy = vey.reshape(n_t, n_k, -1).sum(axis=1) / denom
    vmz = vez.reshape(n_t, n_k, -1).sum(axis=1) / denom

    u = jnp.dot(sm, au1_ref[...], preferred_element_type=f32) + bu1_ref[...]
    u = u * jax.nn.sigmoid(u)
    su = jnp.dot(u, au2_ref[...], preferred_element_type=f32) + bu2_ref[...]
    sres = si + su
    mu = sres.mean(axis=-1, keepdims=True)
    var = ((sres - mu) ** 2).mean(axis=-1, keepdims=True)
    so_ref[...] = (sres - mu) * jax.lax.rsqrt(var + LN_EPS) * gs_ref[...] + bs_ref[...]

    avm = avm_ref[...]
    xx = vi_ref[:, 0 * v_dim:1 * v_dim] + jnp.dot(vmx, avm, preferred_element_type=f32)
    xy = vi_ref[:, 1 * v_dim:2 * v_dim] + jnp.dot(vmy, avm, preferred_element_type=f32)
    xz = vi_ref[:, 2 * v_dim:3 * v_dim] + jnp.dot(vmz, avm, preferred_element_type=f32)
    mag = jnp.maximum(jnp.sqrt(xx * xx + xy * xy + xz * xz), EPS_V)
    mmu = mag.mean(axis=-1, keepdims=True)
    mvar = ((mag - mmu) ** 2).mean(axis=-1, keepdims=True)
    magn = (mag - mmu) * jax.lax.rsqrt(mvar + LN_EPS) * gv_ref[...] + bv_ref[...]
    r = magn / mag
    vx_ref[...] = xx * r
    vy_ref[...] = xy * r
    vz_ref[...] = xz * r


def _tc_call_params(bn, n_k, s_dim, v_dim, r_dim, n_t):
    grid = (bn // n_t,)
    tk = n_t * n_k

    def node(c):
        return pl.BlockSpec((n_t, c), lambda i: (i, 0))

    def edge(c):
        return pl.BlockSpec((tk, c), lambda i: (i, 0))

    def w(r, c):
        return pl.BlockSpec((r, c), lambda i: (0, 0))

    h_dim = s_dim
    in_specs = [
        node(s_dim),
        node(3 * v_dim),
        edge(128),
        edge(r_dim),
        edge(3),
        edge(1),
        w(s_dim, h_dim),
        w(s_dim, h_dim),
        w(r_dim, h_dim),
        w(1, h_dim),
        w(h_dim, s_dim),
        w(h_dim, s_dim),
        w(h_dim, v_dim),
        w(h_dim, v_dim),
        w(1, s_dim),
        w(1, s_dim),
        w(1, v_dim),
        w(1, v_dim),
        w(v_dim, s_dim),
        w(s_dim, v_dim),
        w(s_dim, h_dim),
        w(1, h_dim),
        w(h_dim, s_dim),
        w(1, s_dim),
        w(v_dim, v_dim),
        w(1, s_dim),
        w(1, s_dim),
        w(1, v_dim),
        w(1, v_dim),
    ]
    out_specs = [
        node(s_dim),
        node(v_dim),
        node(v_dim),
        node(v_dim),
    ]
    out_shape = [
        jax.ShapeDtypeStruct((bn, s_dim), jnp.float32),
        jax.ShapeDtypeStruct((bn, v_dim), jnp.float32),
        jax.ShapeDtypeStruct((bn, v_dim), jnp.float32),
        jax.ShapeDtypeStruct((bn, v_dim), jnp.float32),
    ]
    return grid, in_specs, out_specs, out_shape


def kernel(s, v, neighbor_idx, rel_unit, distances, rbf,
           W1, b1, W2, b2, Wvs, Wsv, Wu1, bu1, Wu2, bu2, Wvm,
           gamma_s, beta_s, gamma_v, beta_v):
    b_dim, n_dim, s_dim = s.shape
    v_dim = v.shape[2]
    n_k = neighbor_idx.shape[2]
    r_dim = rbf.shape[3]
    bn = b_dim * n_dim
    e = bn * n_k

    s2 = s.reshape(bn, s_dim)
    v2 = jnp.swapaxes(v, 2, 3).reshape(bn, 3 * v_dim)
    pad = 128 - s_dim - 3 * v_dim
    table = jnp.concatenate(
        [s2, v2, jnp.zeros((bn, pad), jnp.float32)], axis=1)
    idxg = (neighbor_idx.astype(jnp.int32)
            + (jnp.arange(b_dim, dtype=jnp.int32) * n_dim)[:, None, None])
    idxg = idxg.reshape(e)

    ej = _sc_gather(table, idxg)

    rbf2 = rbf.reshape(e, r_dim)
    ru2 = rel_unit.reshape(e, 3)
    dist2 = distances.reshape(e, 1)

    n_t = 200
    grid, in_specs, out_specs, out_shape = _tc_call_params(
        bn, n_k, s_dim, v_dim, r_dim, n_t)
    body = functools.partial(_tc_body, n_t, n_k, s_dim)
    so, vx, vy, vz = pl.pallas_call(
        body,
        grid=grid,
        in_specs=in_specs,
        out_specs=out_specs,
        out_shape=out_shape,
    )(
        s2, v2, ej, rbf2, ru2, dist2,
        W1[:, :s_dim].T, W1[:, s_dim:2 * s_dim].T, W1[:, 2 * s_dim:].T,
        b1[None, :],
        W2[:s_dim].T, W2[s_dim:2 * s_dim].T,
        W2[2 * s_dim:2 * s_dim + v_dim].T, W2[2 * s_dim + v_dim:].T,
        b2[None, :s_dim], b2[None, s_dim:2 * s_dim],
        b2[None, 2 * s_dim:2 * s_dim + v_dim], b2[None, 2 * s_dim + v_dim:],
        Wvs.T, Wsv.T, Wu1.T, bu1[None, :], Wu2.T, bu2[None, :],
        Wvm.T,
        gamma_s[None, :], beta_s[None, :], gamma_v[None, :], beta_v[None, :],
    )

    s_out = so.reshape(b_dim, n_dim, s_dim)
    v_out = jnp.stack([vx, vy, vz], axis=-1).reshape(b_dim, n_dim, v_dim, 3)
    return (s_out, v_out)

# --- scband reference (transcript-rebuilt; emitter-appended) ---
"""Pipeline reference for scband-nequ-ipinteraction-block-88965952569932 (READ-ONLY COPY).

The authoritative reference and input builder live on the scoring server;
editing this copy changes nothing except your own understanding.
"""

import jax, jax.numpy as jnp
import numpy as np

B, N, K = 2, 10000, 16
S, V, R, H = 64, 16, 16, 64
CUTOFF = 0.8
EPS_V = 1e-6


def layer_norm(x, gamma, beta, eps=1e-5):
    mu = x.mean(-1, keepdims=True)
    var = ((x - mu) ** 2).mean(-1, keepdims=True)
    return (x - mu) / jnp.sqrt(var + eps) * gamma + beta


def setup_inputs(seed: int = 0) -> dict:
    key = jax.random.key(seed)
    ks = jax.random.split(key, 16)
    ei = 2 * S + R
    eo = 2 * S + 2 * V
    inp = {}
    inp["s"] = jax.random.normal(ks[0], (B, N, S), jnp.float32)
    inp["v"] = jax.random.normal(ks[1], (B, N, V, 3), jnp.float32)
    inp["neighbor_idx"] = jax.random.randint(ks[2], (B, N, K), 0, N)
    inp["rel_unit"] = jax.random.normal(ks[3], (B, N, K, 3), jnp.float32)
    inp["distances"] = jax.random.uniform(ks[4], (B, N, K), jnp.float32)
    inp["rbf"] = jax.random.normal(ks[5], (B, N, K, R), jnp.float32)
    inp["W1"] = jax.random.normal(ks[6], (H, ei), jnp.float32) / np.sqrt(ei)
    inp["b1"] = jnp.zeros((H,), jnp.float32)
    inp["W2"] = jax.random.normal(ks[7], (eo, H), jnp.float32) / np.sqrt(H)
    inp["b2"] = jnp.zeros((eo,), jnp.float32)
    inp["Wvs"] = jax.random.normal(ks[8], (S, V), jnp.float32) / np.sqrt(V)
    inp["Wsv"] = jax.random.normal(ks[9], (V, S), jnp.float32) / np.sqrt(S)
    inp["Wu1"] = jax.random.normal(ks[10], (H, S), jnp.float32) / np.sqrt(S)
    inp["bu1"] = jnp.zeros((H,), jnp.float32)
    inp["Wu2"] = jax.random.normal(ks[11], (S, H), jnp.float32) / np.sqrt(H)
    inp["bu2"] = jnp.zeros((S,), jnp.float32)
    inp["Wvm"] = jax.random.normal(ks[12], (V, V), jnp.float32) / np.sqrt(V)
    inp["gamma_s"] = jnp.ones((S,), jnp.float32)
    inp["beta_s"] = jnp.zeros((S,), jnp.float32)
    inp["gamma_v"] = jnp.ones((V,), jnp.float32)
    inp["beta_v"] = jnp.zeros((V,), jnp.float32)
    return inp


def reference(s, v, neighbor_idx, rel_unit, distances, rbf,
              W1, b1, W2, b2, Wvs, Wsv, Wu1, bu1, Wu2, bu2, Wvm,
              gamma_s, beta_s, gamma_v, beta_v):
    bidx = jnp.arange(B)[:, None, None]
    s_j = s[bidx, neighbor_idx]                 # [B,N,K,S] gather
    v_j = v[bidx, neighbor_idx]                 # [B,N,K,V,3] gather
    s_i = jnp.broadcast_to(s[:, :, None, :], s_j.shape)
    edge_input = jnp.concatenate([s_i, s_j, rbf], axis=-1)
    h = jax.nn.silu(edge_input @ W1.T + b1)
    gates = h @ W2.T + b2
    g_ss = gates[..., :S]
    g_sv = gates[..., S:2 * S]
    g_vv = gates[..., 2 * S:2 * S + V]
    g_vs = gates[..., 2 * S + V:]
    v_proj = (v_j * rel_unit[..., None, :]).sum(axis=-1)   # [B,N,K,V]
    v_proj = v_proj @ Wvs.T                                # [B,N,K,S]
    scalar_edge = g_ss * s_j + g_sv * v_proj
    s_to_v = s_j @ Wsv.T                                   # [B,N,K,V]
    v_from_s = s_to_v[..., None] * rel_unit[..., None, :]  # [B,N,K,V,3]
    vector_edge = g_vv[..., None] * v_j + g_vs[..., None] * v_from_s
    edge_mask = (distances < CUTOFF).astype(s.dtype)       # [B,N,K]
    denom = jnp.maximum(edge_mask.sum(axis=2, keepdims=True), 1.0)  # [B,N,1]
    scalar_msg = (scalar_edge * edge_mask[..., None]).sum(axis=2) / denom
    vector_msg = (vector_edge * edge_mask[..., None, None]).sum(axis=2) / denom[..., None]
    su = jax.nn.silu(scalar_msg @ Wu1.T + bu1) @ Wu2.T + bu2
    s_out = layer_norm(s + su, gamma_s, beta_s)
    vm = jnp.swapaxes(vector_msg, -1, -2) @ Wvm.T
    vm = jnp.swapaxes(vm, -1, -2)
    # dropout_rate = 0.0 -> no-op
    x = v + vm
    mag = jnp.maximum(jnp.linalg.norm(x, axis=-1), EPS_V)
    mag_norm = layer_norm(mag, gamma_v, beta_v)
    v_out = x * (mag_norm / mag)[..., None]
    return (s_out, v_out)

if __name__ == "__main__":
    import jax
    _d = setup_inputs()
    print(jax.jit(kernel)(*tuple(_d.values())))

</pallas_src>

<mosaic_0001>
#map = affine_map<(d0, d1) -> (0, 0)>
#map1 = affine_map<(d0, d1) -> (0)>
module attributes {stable_mosaic.version = 14 : i64} {
  func.func @_sc_gather_body(%arg0: i32, %arg1: i32, %arg2: memref<20000x128xf32, #tpu.memory_space<hbm>>, %arg3: memref<320000xi32, #tpu.memory_space<hbm>>, %arg4: memref<320000x128xf32, #tpu.memory_space<hbm>>, %arg5: memref<128xi32, #tpu.memory_space<vmem>>, %arg6: memref<128x128xf32, #tpu.memory_space<vmem>>, %arg7: memref<!tpu.dma_semaphore, #tpu.memory_space<semaphore_mem>>) attributes {dimension_semantics = [#tpu.dimension_semantics<core_parallel>, #tpu.dimension_semantics<subcore_parallel>], iteration_bounds = array<i64: 2, 16>, scalar_prefetch = 0 : i64, scratch_operands = 3 : i64, tpu.core_type = #tpu.core_type<sc_vector_subcore>, window_params = [{transform_indices = #map}, {transform_indices = #map1}, {transform_indices = #map}]} {
    %mul3A = arith.constant 2 : i32
    %mul3A_0 = arith.muli %arg1, %mul3A : i32
    %add3A = arith.addi %mul3A_0, %arg0 : i32
    %scan3A = arith.constant 0 : i32
    %scan3A_1 = arith.constant 0 : i32
    %scan3A_2 = arith.constant 79 : i32
    %scan3A_3 = arith.addi %scan3A_1, %scan3A_2 : i32
    %scan3A_4 = arith.constant 1 : i32
    scf.for %scan3A_6 = %scan3A_1 to %scan3A_3 step %scan3A_4  : i32 {
      %mul3A_7 = arith.constant 32 : i32
      %mul3A_8 = arith.muli %mul3A_7, %scan3A_6 : i32
      %add3A_9 = arith.addi %add3A, %mul3A_8 : i32
      %lt3A = arith.constant 2500 : i32
      %lt3A_10 = arith.cmpi slt, %add3A_9, %lt3A : i32
      %convert_element_type3A = arith.extui %lt3A_10 : i1 to i32
      %cond3A = arith.constant 0 : i32
      %cond3A_11 = arith.cmpi ne, %convert_element_type3A, %cond3A : i32
      scf.if %cond3A_11 {
        %mul3A_12 = arith.constant 128 : i32
        %mul3A_13 = arith.muli %add3A_9, %mul3A_12 : i32
        "tpu.region"() ({
          %run_scoped3A = tpu.sem_alloc : memref<!tpu.dma_semaphore, #tpu.memory_space<semaphore_mem>>
          %dma_start3A_18 = tpu.memref_slice %arg3[%mul3A_13] : memref<320000xi32, #tpu.memory_space<hbm>> -> memref<128xi32, #tpu.memory_space<hbm>>
          %dma_start3A_19 = tpu.memref_slice %arg3[%mul3A_13] : memref<320000xi32, #tpu.memory_space<hbm>> -> memref<128xi32, #tpu.memory_space<hbm>>
          tpu.enqueue_dma source(%dma_start3A_19 : memref<128xi32, #tpu.memory_space<hbm>>) target(%arg5 : memref<128xi32, #tpu.memory_space<vmem>>) target_semaphore(%run_scoped3A : memref<!tpu.dma_semaphore, #tpu.memory_space<semaphore_mem>>)
          %dma_wait3A_20 = tpu.memref_slice %arg3[%mul3A_13] : memref<320000xi32, #tpu.memory_space<hbm>> -> memref<128xi32, #tpu.memory_space<hbm>>
          %dma_wait3A_21 = tpu.memref_slice %arg3[%mul3A_13] : memref<320000xi32, #tpu.memory_space<hbm>> -> memref<128xi32, #tpu.memory_space<hbm>>
          tpu.wait_dma2 semaphore(%run_scoped3A : memref<!tpu.dma_semaphore, #tpu.memory_space<semaphore_mem>>) src(%dma_wait3A_21 : memref<128xi32, #tpu.memory_space<hbm>>) dst(%arg5 : memref<128xi32, #tpu.memory_space<vmem>>)
          tpu.yield
        }) : () -> ()
        %dma_start3A = arith.constant 0 : i32
        %dma_start3A_14 = arith.constant 0 : i32
        %dma_start3A_15 = tpu.memref_slice %arg2[%dma_start3A, %dma_start3A_14] : memref<20000x128xf32, #tpu.memory_space<hbm>> -> memref<20000x128xf32, #tpu.memory_space<hbm>>
        tpu.enqueue_indirect_dma source(%dma_start3A_15 : memref<20000x128xf32, #tpu.memory_space<hbm>>) target(%arg6 : memref<128x128xf32, #tpu.memory_space<vmem>>) offsets(%arg5 : memref<128xi32, #tpu.memory_space<vmem>>) semaphore(%arg7 : memref<!tpu.dma_semaphore, #tpu.memory_space<semaphore_mem>>)
        %dma_wait3A = arith.constant 0 : i32
        %dma_wait3A_16 = arith.constant 0 : i32
        %dma_wait3A_17 = tpu.memref_slice %arg2[%dma_wait3A, %dma_wait3A_16] : memref<20000x128xf32, #tpu.memory_space<hbm>> -> memref<20000x128xf32, #tpu.memory_space<hbm>>
        tpu.wait_indirect_dma semaphore(%arg7 : memref<!tpu.dma_semaphore, #tpu.memory_space<semaphore_mem>>) src(%dma_wait3A_17 : memref<20000x128xf32, #tpu.memory_space<hbm>>) dst(%arg6 : memref<128x128xf32, #tpu.memory_space<vmem>>)
        "tpu.region"() ({
          %run_scoped3A = tpu.sem_alloc : memref<!tpu.dma_semaphore, #tpu.memory_space<semaphore_mem>>
          %dma_start3A_18 = arith.constant 0 : i32
          %dma_start3A_19 = tpu.memref_slice %arg4[%mul3A_13, %dma_start3A_18] : memref<320000x128xf32, #tpu.memory_space<hbm>> -> memref<128x128xf32, #tpu.memory_space<hbm>>
          %dma_start3A_20 = arith.constant 0 : i32
          %dma_start3A_21 = tpu.memref_slice %arg4[%mul3A_13, %dma_start3A_20] : memref<320000x128xf32, #tpu.memory_space<hbm>> -> memref<128x128xf32, #tpu.memory_space<hbm>>
          tpu.enqueue_dma source(%arg6 : memref<128x128xf32, #tpu.memory_space<vmem>>) target(%dma_start3A_21 : memref<128x128xf32, #tpu.memory_space<hbm>>) target_semaphore(%run_scoped3A : memref<!tpu.dma_semaphore, #tpu.memory_space<semaphore_mem>>)
          %dma_wait3A_22 = arith.constant 0 : i32
          %dma_wait3A_23 = tpu.memref_slice %arg4[%mul3A_13, %dma_wait3A_22] : memref<320000x128xf32, #tpu.memory_space<hbm>> -> memref<128x128xf32, #tpu.memory_space<hbm>>
          %dma_wait3A_24 = arith.constant 0 : i32
          %dma_wait3A_25 = tpu.memref_slice %arg4[%mul3A_13, %dma_wait3A_24] : memref<320000x128xf32, #tpu.memory_space<hbm>> -> memref<128x128xf32, #tpu.memory_space<hbm>>
          tpu.wait_dma2 semaphore(%run_scoped3A : memref<!tpu.dma_semaphore, #tpu.memory_space<semaphore_mem>>) src(%arg6 : memref<128x128xf32, #tpu.memory_space<vmem>>) dst(%dma_wait3A_25 : memref<128x128xf32, #tpu.memory_space<hbm>>)
          tpu.yield
        }) : () -> ()
      } else {
      }
    }
    %scan3A_5 = arith.constant 79 : i32
    return
  }
}

module attributes {stable_mosaic.version = 14 : i64} {
  func.func @_tc_body(%arg0: i32, %arg1: memref<200x64xf32, #tpu.memory_space<vmem>>, %arg2: memref<200x48xf32, #tpu.memory_space<vmem>>, %arg3: memref<3200x128xf32, #tpu.memory_space<vmem>>, %arg4: memref<3200x16xf32, #tpu.memory_space<vmem>>, %arg5: memref<3200x3xf32, #tpu.memory_space<vmem>>, %arg6: memref<3200x1xf32, #tpu.memory_space<vmem>>, %arg7: memref<64x64xf32, #tpu.memory_space<vmem>>, %arg8: memref<64x64xf32, #tpu.memory_space<vmem>>, %arg9: memref<16x64xf32, #tpu.memory_space<vmem>>, %arg10: memref<1x64xf32, #tpu.memory_space<vmem>>, %arg11: memref<64x64xf32, #tpu.memory_space<vmem>>, %arg12: memref<64x64xf32, #tpu.memory_space<vmem>>, %arg13: memref<64x16xf32, #tpu.memory_space<vmem>>, %arg14: memref<64x16xf32, #tpu.memory_space<vmem>>, %arg15: memref<1x64xf32, #tpu.memory_space<vmem>>, %arg16: memref<1x64xf32, #tpu.memory_space<vmem>>, %arg17: memref<1x16xf32, #tpu.memory_space<vmem>>, %arg18: memref<1x16xf32, #tpu.memory_space<vmem>>, %arg19: memref<16x64xf32, #tpu.memory_space<vmem>>, %arg20: memref<64x16xf32, #tpu.memory_space<vmem>>, %arg21: memref<64x64xf32, #tpu.memory_space<vmem>>, %arg22: memref<1x64xf32, #tpu.memory_space<vmem>>, %arg23: memref<64x64xf32, #tpu.memory_space<vmem>>, %arg24: memref<1x64xf32, #tpu.memory_space<vmem>>, %arg25: memref<16x16xf32, #tpu.memory_space<vmem>>, %arg26: memref<1x64xf32, #tpu.memory_space<vmem>>, %arg27: memref<1x64xf32, #tpu.memory_space<vmem>>, %arg28: memref<1x16xf32, #tpu.memory_space<vmem>>, %arg29: memref<1x16xf32, #tpu.memory_space<vmem>>, %arg30: memref<200x64xf32, #tpu.memory_space<vmem>>, %arg31: memref<200x16xf32, #tpu.memory_space<vmem>>, %arg32: memref<200x16xf32, #tpu.memory_space<vmem>>, %arg33: memref<200x16xf32, #tpu.memory_space<vmem>>) attributes {dimension_semantics = [#tpu.dimension_semantics<arbitrary>], iteration_bounds = array<i64: 100>, scalar_prefetch = 0 : i64, scratch_operands = 0 : i64, tpu.core_type = #tpu.core_type<tc>, window_params = [{transform_indices = @transform_0, window_bounds = array<i64: 200, 64>}, {transform_indices = @transform_1, window_bounds = array<i64: 200, 48>}, {transform_indices = @transform_2, window_bounds = array<i64: 3200, 128>}, {transform_indices = @transform_3, window_bounds = array<i64: 3200, 16>}, {transform_indices = @transform_4, window_bounds = array<i64: 3200, 3>}, {transform_indices = @transform_5, window_bounds = array<i64: 3200, 1>}, {pipeline_mode = #tpu.pipeline_mode<synchronous>, transform_indices = @transform_6, window_bounds = array<i64: 64, 64>}, {pipeline_mode = #tpu.pipeline_mode<synchronous>, transform_indices = @transform_7, window_bounds = array<i64: 64, 64>}, {pipeline_mode = #tpu.pipeline_mode<synchronous>, transform_indices = @transform_8, window_bounds = array<i64: 16, 64>}, {pipeline_mode = #tpu.pipeline_mode<synchronous>, transform_indices = @transform_9, window_bounds = array<i64: 1, 64>}, {pipeline_mode = #tpu.pipeline_mode<synchronous>, transform_indices = @transform_10, window_bounds = array<i64: 64, 64>}, {pipeline_mode = #tpu.pipeline_mode<synchronous>, transform_indices = @transform_11, window_bounds = array<i64: 64, 64>}, {pipeline_mode = #tpu.pipeline_mode<synchronous>, transform_indices = @transform_12, window_bounds = array<i64: 64, 16>}, {pipeline_mode = #tpu.pipeline_mode<synchronous>, transform_indices = @transform_13, window_bounds = array<i64: 64, 16>}, {pipeline_mode = #tpu.pipeline_mode<synchronous>, transform_indices = @transform_14, window_bounds = array<i64: 1, 64>}, {pipeline_mode = #tpu.pipeline_mode<synchronous>, transform_indices = @transform_15, window_bounds = array<i64: 1, 64>}, {pipeline_mode = #tpu.pipeline_mode<synchronous>, transform_indices = @transform_16, window_bounds = array<i64: 1, 16>}, {pipeline_mode = #tpu.pipeline_mode<synchronous>, transform_indices = @transform_17, window_bounds = array<i64: 1, 16>}, {pipeline_mode = #tpu.pipeline_mode<synchronous>, transform_indices = @transform_18, window_bounds = array<i64: 16, 64>}, {pipeline_mode = #tpu.pipeline_mode<synchronous>, transform_indices = @transform_19, window_bounds = array<i64: 64, 16>}, {pipeline_mode = #tpu.pipeline_mode<synchronous>, transform_indices = @transform_20, window_bounds = array<i64: 64, 64>}, {pipeline_mode = #tpu.pipeline_mode<synchronous>, transform_indices = @transform_21, window_bounds = array<i64: 1, 64>}, {pipeline_mode = #tpu.pipeline_mode<synchronous>, transform_indices = @transform_22, window_bounds = array<i64: 64, 64>}, {pipeline_mode = #tpu.pipeline_mode<synchronous>, transform_indices = @transform_23, window_bounds = array<i64: 1, 64>}, {pipeline_mode = #tpu.pipeline_mode<synchronous>, transform_indices = @transform_24, window_bounds = array<i64: 16, 16>}, {pipeline_mode = #tpu.pipeline_mode<synchronous>, transform_indices = @transform_25, window_bounds = array<i64: 1, 64>}, {pipeline_mode = #tpu.pipeline_mode<synchronous>, transform_indices = @transform_26, window_bounds = array<i64: 1, 64>}, {pipeline_mode = #tpu.pipeline_mode<synchronous>, transform_indices = @transform_27, window_bounds = array<i64: 1, 16>}, {pipeline_mode = #tpu.pipeline_mode<synchronous>, transform_indices = @transform_28, window_bounds = array<i64: 1, 16>}, {transform_indices = @transform_29, window_bounds = array<i64: 200, 64>}, {transform_indices = @transform_30, window_bounds = array<i64: 200, 16>}, {transform_indices = @transform_31, window_bounds = array<i64: 200, 16>}, {transform_indices = @transform_32, window_bounds = array<i64: 200, 16>}]} {
    %get3A = arith.constant 0 : index
    %get3A_0 = arith.constant 0 : index
    %get3A_1 = vector.load %arg1[%get3A, %get3A_0] : memref<200x64xf32, #tpu.memory_space<vmem>>, vector<200x64xf32>
    %get3A_2 = arith.constant 0 : index
    %get3A_3 = arith.constant 0 : index
    %get3A_4 = vector.load %arg3[%get3A_2, %get3A_3] : memref<3200x128xf32, #tpu.memory_space<vmem>>, vector<3200x128xf32>
    %slice3A = vector.extract_strided_slice %get3A_4 {offsets = [0, 0], sizes = [3200, 64], strides = [1, 1]} : vector<3200x128xf32> to vector<3200x64xf32>
    %slice3A_5 = vector.extract_strided_slice %get3A_4 {offsets = [0, 64], sizes = [3200, 64], strides = [1, 1]} : vector<3200x128xf32> to vector<3200x64xf32>
    %get3A_6 = arith.constant 0 : index
    %get3A_7 = arith.constant 0 : index
    %get3A_8 = vector.load %arg4[%get3A_6, %get3A_7] : memref<3200x16xf32, #tpu.memory_space<vmem>>, vector<3200x16xf32>
    %get3A_9 = arith.constant 0 : index
    %get3A_10 = arith.constant 0 : index
    %get3A_11 = vector.load %arg5[%get3A_9, %get3A_10] : memref<3200x3xf32, #tpu.memory_space<vmem>>, vector<3200x3xf32>
    %get3A_12 = arith.constant 0 : index
    %get3A_13 = arith.constant 0 : index
    %get3A_14 = vector.load %arg6[%get3A_12, %get3A_13] : memref<3200x1xf32, #tpu.memory_space<vmem>>, vector<3200x1xf32>
    %get3A_15 = arith.constant 0 : index
    %get3A_16 = arith.constant 0 : index
    %get3A_17 = vector.load %arg7[%get3A_15, %get3A_16] : memref<64x64xf32, #tpu.memory_space<vmem>>, vector<64x64xf32>
    %dot_general3A = arith.constant dense<0.000000e+00> : vector<200x64xf32>
    %dot_general3A_18 = tpu.matmul %get3A_1, %get3A_17, %dot_general3A {dimension_numbers = #tpu.dot_dimension_numbers<[1], [0], [0], [1], [0, 0, 1, 1], [], []>, transpose_lhs_hint = false} : vector<200x64xf32>, vector<64x64xf32>, vector<200x64xf32> -> vector<200x64xf32>
    %broadcast_in_dim3A = vector.shape_cast %dot_general3A_18 : vector<200x64xf32> to vector<200x1x64xf32>
    %broadcast_in_dim3A_19 = vector.shape_cast %broadcast_in_dim3A : vector<200x1x64xf32> to vector<200x1x64xf32>
    %broadcast_in_dim3A_20 = vector.broadcast %broadcast_in_dim3A_19 : vector<200x1x64xf32> to vector<200x16x64xf32>
    %reshape3A = vector.shape_cast %broadcast_in_dim3A_20 : vector<200x16x64xf32> to vector<3200x64xf32>
    %get3A_21 = arith.constant 0 : index
    %get3A_22 = arith.constant 0 : index
    %get3A_23 = vector.load %arg8[%get3A_21, %get3A_22] : memref<64x64xf32, #tpu.memory_space<vmem>>, vector<64x64xf32>
    %dot_general3A_24 = arith.constant dense<0.000000e+00> : vector<3200x64xf32>
    %dot_general3A_25 = tpu.matmul %slice3A, %get3A_23, %dot_general3A_24 {dimension_numbers = #tpu.dot_dimension_numbers<[1], [0], [0], [1], [0, 0, 1, 1], [], []>, transpose_lhs_hint = false} : vector<3200x64xf32>, vector<64x64xf32>, vector<3200x64xf32> -> vector<3200x64xf32>
    %add3A = arith.addf %reshape3A, %dot_general3A_25 : vector<3200x64xf32>
    %get3A_26 = arith.constant 0 : index
    %get3A_27 = arith.constant 0 : index
    %get3A_28 = vector.load %arg9[%get3A_26, %get3A_27] : memref<16x64xf32, #tpu.memory_space<vmem>>, vector<16x64xf32>
    %dot_general3A_29 = arith.constant dense<0.000000e+00> : vector<3200x64xf32>
    %dot_general3A_30 = tpu.matmul %get3A_8, %get3A_28, %dot_general3A_29 {dimension_numbers = #tpu.dot_dimension_numbers<[1], [0], [0], [1], [0, 0, 1, 1], [], []>, transpose_lhs_hint = false} : vector<3200x16xf32>, vector<16x64xf32>, vector<3200x64xf32> -> vector<3200x64xf32>
    %add3A_31 = arith.addf %add3A, %dot_general3A_30 : vector<3200x64xf32>
    %get3A_32 = arith.constant 0 : index
    %get3A_33 = arith.constant 0 : index
    %get3A_34 = vector.load %arg10[%get3A_32, %get3A_33] : memref<1x64xf32, #tpu.memory_space<vmem>>, vector<1x64xf32>
    %add3A_35 = vector.broadcast %get3A_34 : vector<1x64xf32> to vector<3200x64xf32>
    %add3A_36 = arith.addf %add3A_31, %add3A_35 : vector<3200x64xf32>
    %logistic3A = arith.negf %add3A_36 : vector<3200x64xf32>
    %logistic3A_37 = math.exp %logistic3A : vector<3200x64xf32>
    %logistic3A_38 = arith.constant 1.000000e+00 : f32
    %logistic3A_39 = vector.broadcast %logistic3A_38 : f32 to vector<3200x64xf32>
    %logistic3A_40 = arith.addf %logistic3A_39, %logistic3A_37 : vector<3200x64xf32>
    %logistic3A_41 = arith.divf %logistic3A_39, %logistic3A_40 : vector<3200x64xf32>
    %mul3A = arith.mulf %add3A_36, %logistic3A_41 : vector<3200x64xf32>
    %get3A_42 = arith.constant 0 : index
    %get3A_43 = arith.constant 0 : index
    %get3A_44 = vector.load %arg11[%get3A_42, %get3A_43] : memref<64x64xf32, #tpu.memory_space<vmem>>, vector<64x64xf32>
    %dot_general3A_45 = arith.constant dense<0.000000e+00> : vector<3200x64xf32>
    %dot_general3A_46 = tpu.matmul %mul3A, %get3A_44, %dot_general3A_45 {dimension_numbers = #tpu.dot_dimension_numbers<[1], [0], [0], [1], [0, 0, 1, 1], [], []>, transpose_lhs_hint = false} : vector<3200x64xf32>, vector<64x64xf32>, vector<3200x64xf32> -> vector<3200x64xf32>
    %get3A_47 = arith.constant 0 : index
    %get3A_48 = arith.constant 0 : index
    %get3A_49 = vector.load %arg15[%get3A_47, %get3A_48] : memref<1x64xf32, #tpu.memory_space<vmem>>, vector<1x64xf32>
    %add3A_50 = vector.broadcast %get3A_49 : vector<1x64xf32> to vector<3200x64xf32>
    %add3A_51 = arith.addf %dot_general3A_46, %add3A_50 : vector<3200x64xf32>
    %get3A_52 = arith.constant 0 : index
    %get3A_53 = arith.constant 0 : index
    %get3A_54 = vector.load %arg12[%get3A_52, %get3A_53] : memref<64x64xf32, #tpu.memory_space<vmem>>, vector<64x64xf32>
    %dot_general3A_55 = arith.constant dense<0.000000e+00> : vector<3200x64xf32>
    %dot_general3A_56 = tpu.matmul %mul3A, %get3A_54, %dot_general3A_55 {dimension_numbers = #tpu.dot_dimension_numbers<[1], [0], [0], [1], [0, 0, 1, 1], [], []>, transpose_lhs_hint = false} : vector<3200x64xf32>, vector<64x64xf32>, vector<3200x64xf32> -> vector<3200x64xf32>
    %get3A_57 = arith.constant 0 : index
    %get3A_58 = arith.constant 0 : index
    %get3A_59 = vector.load %arg16[%get3A_57, %get3A_58] : memref<1x64xf32, #tpu.memory_space<vmem>>, vector<1x64xf32>
    %add3A_60 = vector.broadcast %get3A_59 : vector<1x64xf32> to vector<3200x64xf32>
    %add3A_61 = arith.addf %dot_general3A_56, %add3A_60 : vector<3200x64xf32>
    %get3A_62 = arith.constant 0 : index
    %get3A_63 = arith.constant 0 : index
    %get3A_64 = vector.load %arg13[%get3A_62, %get3A_63] : memref<64x16xf32, #tpu.memory_space<vmem>>, vector<64x16xf32>
    %dot_general3A_65 = arith.constant dense<0.000000e+00> : vector<3200x16xf32>
    %dot_general3A_66 = tpu.matmul %mul3A, %get3A_64, %dot_general3A_65 {dimension_numbers = #tpu.dot_dimension_numbers<[1], [0], [0], [1], [0, 0, 1, 1], [], []>, transpose_lhs_hint = false} : vector<3200x64xf32>, vector<64x16xf32>, vector<3200x16xf32> -> vector<3200x16xf32>
    %get3A_67 = arith.constant 0 : index
    %get3A_68 = arith.constant 0 : index
    %get3A_69 = vector.load %arg17[%get3A_67, %get3A_68] : memref<1x16xf32, #tpu.memory_space<vmem>>, vector<1x16xf32>
    %add3A_70 = vector.broadcast %get3A_69 : vector<1x16xf32> to vector<3200x16xf32>
    %add3A_71 = arith.addf %dot_general3A_66, %add3A_70 : vector<3200x16xf32>
    %get3A_72 = arith.constant 0 : index
    %get3A_73 = arith.constant 0 : index
    %get3A_74 = vector.load %arg14[%get3A_72, %get3A_73] : memref<64x16xf32, #tpu.memory_space<vmem>>, vector<64x16xf32>
    %dot_general3A_75 = arith.constant dense<0.000000e+00> : vector<3200x16xf32>
    %dot_general3A_76 = tpu.matmul %mul3A, %get3A_74, %dot_general3A_75 {dimension_numbers = #tpu.dot_dimension_numbers<[1], [0], [0], [1], [0, 0, 1, 1], [], []>, transpose_lhs_hint = false} : vector<3200x64xf32>, vector<64x16xf32>, vector<3200x16xf32> -> vector<3200x16xf32>
    %get3A_77 = arith.constant 0 : index
    %get3A_78 = arith.constant 0 : index
    %get3A_79 = vector.load %arg18[%get3A_77, %get3A_78] : memref<1x16xf32, #tpu.memory_space<vmem>>, vector<1x16xf32>
    %add3A_80 = vector.broadcast %get3A_79 : vector<1x16xf32> to vector<3200x16xf32>
    %add3A_81 = arith.addf %dot_general3A_76, %add3A_80 : vector<3200x16xf32>
    %slice3A_82 = vector.extract_strided_slice %get3A_11 {offsets = [0, 0], sizes = [3200, 1], strides = [1, 1]} : vector<3200x3xf32> to vector<3200x1xf32>
    %slice3A_83 = vector.extract_strided_slice %get3A_11 {offsets = [0, 1], sizes = [3200, 1], strides = [1, 1]} : vector<3200x3xf32> to vector<3200x1xf32>
    %slice3A_84 = vector.extract_strided_slice %get3A_11 {offsets = [0, 2], sizes = [3200, 1], strides = [1, 1]} : vector<3200x3xf32> to vector<3200x1xf32>
    %slice3A_85 = vector.extract_strided_slice %slice3A_5 {offsets = [0, 0], sizes = [3200, 16], strides = [1, 1]} : vector<3200x64xf32> to vector<3200x16xf32>
    %slice3A_86 = vector.extract_strided_slice %slice3A_5 {offsets = [0, 16], sizes = [3200, 16], strides = [1, 1]} : vector<3200x64xf32> to vector<3200x16xf32>
    %slice3A_87 = vector.extract_strided_slice %slice3A_5 {offsets = [0, 32], sizes = [3200, 16], strides = [1, 1]} : vector<3200x64xf32> to vector<3200x16xf32>
    %mul3A_88 = vector.broadcast %slice3A_82 : vector<3200x1xf32> to vector<3200x16xf32>
    %mul3A_89 = arith.mulf %slice3A_85, %mul3A_88 : vector<3200x16xf32>
    %mul3A_90 = vector.broadcast %slice3A_83 : vector<3200x1xf32> to vector<3200x16xf32>
    %mul3A_91 = arith.mulf %slice3A_86, %mul3A_90 : vector<3200x16xf32>
    %add3A_92 = arith.addf %mul3A_89, %mul3A_91 : vector<3200x16xf32>
    %mul3A_93 = vector.broadcast %slice3A_84 : vector<3200x1xf32> to vector<3200x16xf32>
    %mul3A_94 = arith.mulf %slice3A_87, %mul3A_93 : vector<3200x16xf32>
    %add3A_95 = arith.addf %add3A_92, %mul3A_94 : vector<3200x16xf32>
    %get3A_96 = arith.constant 0 : index
    %get3A_97 = arith.constant 0 : index
    %get3A_98 = vector.load %arg19[%get3A_96, %get3A_97] : memref<16x64xf32, #tpu.memory_space<vmem>>, vector<16x64xf32>
    %dot_general3A_99 = arith.constant dense<0.000000e+00> : vector<3200x64xf32>
    %dot_general3A_100 = tpu.matmul %add3A_95, %get3A_98, %dot_general3A_99 {dimension_numbers = #tpu.dot_dimension_numbers<[1], [0], [0], [1], [0, 0, 1, 1], [], []>, transpose_lhs_hint = false} : vector<3200x16xf32>, vector<16x64xf32>, vector<3200x64xf32> -> vector<3200x64xf32>
    %lt3A = arith.constant 8.000000e-01 : f32
    %lt3A_101 = vector.broadcast %lt3A : f32 to vector<3200x1xf32>
    %lt3A_102 = arith.cmpf olt, %get3A_14, %lt3A_101 : vector<3200x1xf32>
    %convert_element_type3A = arith.extui %lt3A_102 : vector<3200x1xi1> to vector<3200x1xi32>
    %convert_element_type3A_103 = arith.sitofp %convert_element_type3A : vector<3200x1xi32> to vector<3200x1xf32>
    %mul3A_104 = arith.mulf %add3A_51, %slice3A : vector<3200x64xf32>
    %mul3A_105 = arith.mulf %add3A_61, %dot_general3A_100 : vector<3200x64xf32>
    %add3A_106 = arith.addf %mul3A_104, %mul3A_105 : vector<3200x64xf32>
    %mul3A_107 = vector.broadcast %convert_element_type3A_103 : vector<3200x1xf32> to vector<3200x64xf32>
    %mul3A_108 = arith.mulf %add3A_106, %mul3A_107 : vector<3200x64xf32>
    %get3A_109 = arith.constant 0 : index
    %get3A_110 = arith.constant 0 : index
    %get3A_111 = vector.load %arg20[%get3A_109, %get3A_110] : memref<64x16xf32, #tpu.memory_space<vmem>>, vector<64x16xf32>
    %dot_general3A_112 = arith.constant dense<0.000000e+00> : vector<3200x16xf32>
    %dot_general3A_113 = tpu.matmul %slice3A, %get3A_111, %dot_general3A_112 {dimension_numbers = #tpu.dot_dimension_numbers<[1], [0], [0], [1], [0, 0, 1, 1], [], []>, transpose_lhs_hint = false} : vector<3200x64xf32>, vector<64x16xf32>, vector<3200x16xf32> -> vector<3200x16xf32>
    %mul3A_114 = arith.mulf %add3A_71, %slice3A_85 : vector<3200x16xf32>
    %mul3A_115 = vector.broadcast %slice3A_82 : vector<3200x1xf32> to vector<3200x16xf32>
    %mul3A_116 = arith.mulf %dot_general3A_113, %mul3A_115 : vector<3200x16xf32>
    %mul3A_117 = arith.mulf %add3A_81, %mul3A_116 : vector<3200x16xf32>
    %add3A_118 = arith.addf %mul3A_114, %mul3A_117 : vector<3200x16xf32>
    %mul3A_119 = vector.broadcast %convert_element_type3A_103 : vector<3200x1xf32> to vector<3200x16xf32>
    %mul3A_120 = arith.mulf %add3A_118, %mul3A_119 : vector<3200x16xf32>
    %mul3A_121 = arith.mulf %add3A_71, %slice3A_86 : vector<3200x16xf32>
    %mul3A_122 = vector.broadcast %slice3A_83 : vector<3200x1xf32> to vector<3200x16xf32>
    %mul3A_123 = arith.mulf %dot_general3A_113, %mul3A_122 : vector<3200x16xf32>
    %mul3A_124 = arith.mulf %add3A_81, %mul3A_123 : vector<3200x16xf32>
    %add3A_125 = arith.addf %mul3A_121, %mul3A_124 : vector<3200x16xf32>
    %mul3A_126 = vector.broadcast %convert_element_type3A_103 : vector<3200x1xf32> to vector<3200x16xf32>
    %mul3A_127 = arith.mulf %add3A_125, %mul3A_126 : vector<3200x16xf32>
    %mul3A_128 = arith.mulf %add3A_71, %slice3A_87 : vector<3200x16xf32>
    %mul3A_129 = vector.broadcast %slice3A_84 : vector<3200x1xf32> to vector<3200x16xf32>
    %mul3A_130 = arith.mulf %dot_general3A_113, %mul3A_129 : vector<3200x16xf32>
    %mul3A_131 = arith.mulf %add3A_81, %mul3A_130 : vector<3200x16xf32>
    %add3A_132 = arith.addf %mul3A_128, %mul3A_131 : vector<3200x16xf32>
    %mul3A_133 = vector.broadcast %convert_element_type3A_103 : vector<3200x1xf32> to vector<3200x16xf32>
    %mul3A_134 = arith.mulf %add3A_132, %mul3A_133 : vector<3200x16xf32>
    %reshape3A_135 = vector.shape_cast %convert_element_type3A_103 : vector<3200x1xf32> to vector<200x16x1xf32>
    %reduce_sum3A = arith.constant dense<0.000000e+00> : vector<200x1xf32>
    %reduce_sum3A_136 = vector.multi_reduction <add>, %reshape3A_135, %reduce_sum3A [1] : vector<200x16x1xf32> to vector<200x1xf32>
    %max3A = arith.constant 1.000000e+00 : f32
    %max3A_137 = vector.broadcast %max3A : f32 to vector<200x1xf32>
    %max3A_138 = arith.maximumf %reduce_sum3A_136, %max3A_137 : vector<200x1xf32>
    %reshape3A_139 = vector.shape_cast %mul3A_108 : vector<3200x64xf32> to vector<200x16x64xf32>
    %reduce_sum3A_140 = arith.constant dense<0.000000e+00> : vector<200x64xf32>
    %reduce_sum3A_141 = vector.multi_reduction <add>, %reshape3A_139, %reduce_sum3A_140 [1] : vector<200x16x64xf32> to vector<200x64xf32>
    %div3A = vector.broadcast %max3A_138 : vector<200x1xf32> to vector<200x64xf32>
    %div3A_142 = arith.divf %reduce_sum3A_141, %div3A : vector<200x64xf32>
    %reshape3A_143 = vector.shape_cast %mul3A_120 : vector<3200x16xf32> to vector<200x16x16xf32>
    %reduce_sum3A_144 = arith.constant dense<0.000000e+00> : vector<200x16xf32>
    %reduce_sum3A_145 = vector.multi_reduction <add>, %reshape3A_143, %reduce_sum3A_144 [1] : vector<200x16x16xf32> to vector<200x16xf32>
    %div3A_146 = vector.broadcast %max3A_138 : vector<200x1xf32> to vector<200x16xf32>
    %div3A_147 = arith.divf %reduce_sum3A_145, %div3A_146 : vector<200x16xf32>
    %reshape3A_148 = vector.shape_cast %mul3A_127 : vector<3200x16xf32> to vector<200x16x16xf32>
    %reduce_sum3A_149 = arith.constant dense<0.000000e+00> : vector<200x16xf32>
    %reduce_sum3A_150 = vector.multi_reduction <add>, %reshape3A_148, %reduce_sum3A_149 [1] : vector<200x16x16xf32> to vector<200x16xf32>
    %div3A_151 = vector.broadcast %max3A_138 : vector<200x1xf32> to vector<200x16xf32>
    %div3A_152 = arith.divf %reduce_sum3A_150, %div3A_151 : vector<200x16xf32>
    %reshape3A_153 = vector.shape_cast %mul3A_134 : vector<3200x16xf32> to vector<200x16x16xf32>
    %reduce_sum3A_154 = arith.constant dense<0.000000e+00> : vector<200x16xf32>
    %reduce_sum3A_155 = vector.multi_reduction <add>, %reshape3A_153, %reduce_sum3A_154 [1] : vector<200x16x16xf32> to vector<200x16xf32>
    %div3A_156 = vector.broadcast %max3A_138 : vector<200x1xf32> to vector<200x16xf32>
    %div3A_157 = arith.divf %reduce_sum3A_155, %div3A_156 : vector<200x16xf32>
    %get3A_158 = arith.constant 0 : index
    %get3A_159 = arith.constant 0 : index
    %get3A_160 = vector.load %arg21[%get3A_158, %get3A_159] : memref<64x64xf32, #tpu.memory_space<vmem>>, vector<64x64xf32>
    %dot_general3A_161 = arith.constant dense<0.000000e+00> : vector<200x64xf32>
    %dot_general3A_162 = tpu.matmul %div3A_142, %get3A_160, %dot_general3A_161 {dimension_numbers = #tpu.dot_dimension_numbers<[1], [0], [0], [1], [0, 0, 1, 1], [], []>, transpose_lhs_hint = false} : vector<200x64xf32>, vector<64x64xf32>, vector<200x64xf32> -> vector<200x64xf32>
    %get3A_163 = arith.constant 0 : index
    %get3A_164 = arith.constant 0 : index
    %get3A_165 = vector.load %arg22[%get3A_163, %get3A_164] : memref<1x64xf32, #tpu.memory_space<vmem>>, vector<1x64xf32>
    %add3A_166 = vector.broadcast %get3A_165 : vector<1x64xf32> to vector<200x64xf32>
    %add3A_167 = arith.addf %dot_general3A_162, %add3A_166 : vector<200x64xf32>
    %logistic3A_168 = arith.negf %add3A_167 : vector<200x64xf32>
    %logistic3A_169 = math.exp %logistic3A_168 : vector<200x64xf32>
    %logistic3A_170 = arith.constant 1.000000e+00 : f32
    %logistic3A_171 = vector.broadcast %logistic3A_170 : f32 to vector<200x64xf32>
    %logistic3A_172 = arith.addf %logistic3A_171, %logistic3A_169 : vector<200x64xf32>
    %logistic3A_173 = arith.divf %logistic3A_171, %logistic3A_172 : vector<200x64xf32>
    %mul3A_174 = arith.mulf %add3A_167, %logistic3A_173 : vector<200x64xf32>
    %get3A_175 = arith.constant 0 : index
    %get3A_176 = arith.constant 0 : index
    %get3A_177 = vector.load %arg23[%get3A_175, %get3A_176] : memref<64x64xf32, #tpu.memory_space<vmem>>, vector<64x64xf32>
    %dot_general3A_178 = arith.constant dense<0.000000e+00> : vector<200x64xf32>
    %dot_general3A_179 = tpu.matmul %mul3A_174, %get3A_177, %dot_general3A_178 {dimension_numbers = #tpu.dot_dimension_numbers<[1], [0], [0], [1], [0, 0, 1, 1], [], []>, transpose_lhs_hint = false} : vector<200x64xf32>, vector<64x64xf32>, vector<200x64xf32> -> vector<200x64xf32>
    %get3A_180 = arith.constant 0 : index
    %get3A_181 = arith.constant 0 : index
    %get3A_182 = vector.load %arg24[%get3A_180, %get3A_181] : memref<1x64xf32, #tpu.memory_space<vmem>>, vector<1x64xf32>
    %add3A_183 = vector.broadcast %get3A_182 : vector<1x64xf32> to vector<200x64xf32>
    %add3A_184 = arith.addf %dot_general3A_179, %add3A_183 : vector<200x64xf32>
    %add3A_185 = arith.addf %get3A_1, %add3A_184 : vector<200x64xf32>
    %reduce_sum3A_186 = arith.constant dense<0.000000e+00> : vector<200xf32>
    %reduce_sum3A_187 = vector.multi_reduction <add>, %add3A_185, %reduce_sum3A_186 [1] : vector<200x64xf32> to vector<200xf32>
    %broadcast_in_dim3A_188 = vector.shape_cast %reduce_sum3A_187 : vector<200xf32> to vector<200x1xf32>
    %div3A_189 = arith.constant 6.400000e+01 : f32
    %div3A_190 = vector.broadcast %div3A_189 : f32 to vector<200x1xf32>
    %div3A_191 = arith.divf %broadcast_in_dim3A_188, %div3A_190 : vector<200x1xf32>
    %sub3A = vector.broadcast %div3A_191 : vector<200x1xf32> to vector<200x64xf32>
    %sub3A_192 = arith.subf %add3A_185, %sub3A : vector<200x64xf32>
    %integer_pow3A = arith.mulf %sub3A_192, %sub3A_192 : vector<200x64xf32>
    %reduce_sum3A_193 = arith.constant dense<0.000000e+00> : vector<200xf32>
    %reduce_sum3A_194 = vector.multi_reduction <add>, %integer_pow3A, %reduce_sum3A_193 [1] : vector<200x64xf32> to vector<200xf32>
    %broadcast_in_dim3A_195 = vector.shape_cast %reduce_sum3A_194 : vector<200xf32> to vector<200x1xf32>
    %div3A_196 = arith.constant 6.400000e+01 : f32
    %div3A_197 = vector.broadcast %div3A_196 : f32 to vector<200x1xf32>
    %div3A_198 = arith.divf %broadcast_in_dim3A_195, %div3A_197 : vector<200x1xf32>
    %sub3A_199 = vector.broadcast %div3A_191 : vector<200x1xf32> to vector<200x64xf32>
    %sub3A_200 = arith.subf %add3A_185, %sub3A_199 : vector<200x64xf32>
    %add3A_201 = arith.constant 9.99999974E-6 : f32
    %add3A_202 = vector.broadcast %add3A_201 : f32 to vector<200x1xf32>
    %add3A_203 = arith.addf %div3A_198, %add3A_202 : vector<200x1xf32>
    %rsqrt3A = math.rsqrt %add3A_203 : vector<200x1xf32>
    %mul3A_204 = vector.broadcast %rsqrt3A : vector<200x1xf32> to vector<200x64xf32>
    %mul3A_205 = arith.mulf %sub3A_200, %mul3A_204 : vector<200x64xf32>
    %get3A_206 = arith.constant 0 : index
    %get3A_207 = arith.constant 0 : index
    %get3A_208 = vector.load %arg26[%get3A_206, %get3A_207] : memref<1x64xf32, #tpu.memory_space<vmem>>, vector<1x64xf32>
    %mul3A_209 = vector.broadcast %get3A_208 : vector<1x64xf32> to vector<200x64xf32>
    %mul3A_210 = arith.mulf %mul3A_205, %mul3A_209 : vector<200x64xf32>
    %get3A_211 = arith.constant 0 : index
    %get3A_212 = arith.constant 0 : index
    %get3A_213 = vector.load %arg27[%get3A_211, %get3A_212] : memref<1x64xf32, #tpu.memory_space<vmem>>, vector<1x64xf32>
    %add3A_214 = vector.broadcast %get3A_213 : vector<1x64xf32> to vector<200x64xf32>
    %add3A_215 = arith.addf %mul3A_210, %add3A_214 : vector<200x64xf32>
    %swap3A = arith.constant 0 : index
    %swap3A_216 = arith.constant 0 : index
    %swap3A_217 = vector.load %arg30[%swap3A, %swap3A_216] : memref<200x64xf32, #tpu.memory_space<vmem>>, vector<200x64xf32>
    tpu.vector_store %arg30[%swap3A, %swap3A_216], %add3A_215 {strides = array<i32>} : memref<200x64xf32, #tpu.memory_space<vmem>>, vector<200x64xf32>,
    %get3A_218 = arith.constant 0 : index
    %get3A_219 = arith.constant 0 : index
    %get3A_220 = vector.load %arg25[%get3A_218, %get3A_219] : memref<16x16xf32, #tpu.memory_space<vmem>>, vector<16x16xf32>
    %get3A_221 = arith.constant 0 : index
    %get3A_222 = arith.constant 0 : index
    %get3A_223 = vector.load %arg2[%get3A_221, %get3A_222] : memref<200x48xf32, #tpu.memory_space<vmem>>, vector<200x16xf32>
    %dot_general3A_224 = arith.constant dense<0.000000e+00> : vector<200x16xf32>
    %dot_general3A_225 = tpu.matmul %div3A_147, %get3A_220, %dot_general3A_224 {dimension_numbers = #tpu.dot_dimension_numbers<[1], [0], [0], [1], [0, 0, 1, 1], [], []>, transpose_lhs_hint = false} : vector<200x16xf32>, vector<16x16xf32>, vector<200x16xf32> -> vector<200x16xf32>
    %add3A_226 = arith.addf %get3A_223, %dot_general3A_225 : vector<200x16xf32>
    %get3A_227 = arith.constant 0 : index
    %get3A_228 = arith.constant 16 : index
    %get3A_229 = vector.load %arg2[%get3A_227, %get3A_228] : memref<200x48xf32, #tpu.memory_space<vmem>>, vector<200x16xf32>
    %dot_general3A_230 = arith.constant dense<0.000000e+00> : vector<200x16xf32>
    %dot_general3A_231 = tpu.matmul %div3A_152, %get3A_220, %dot_general3A_230 {dimension_numbers = #tpu.dot_dimension_numbers<[1], [0], [0], [1], [0, 0, 1, 1], [], []>, transpose_lhs_hint = false} : vector<200x16xf32>, vector<16x16xf32>, vector<200x16xf32> -> vector<200x16xf32>
    %add3A_232 = arith.addf %get3A_229, %dot_general3A_231 : vector<200x16xf32>
    %get3A_233 = arith.constant 0 : index
    %get3A_234 = arith.constant 32 : index
    %get3A_235 = vector.load %arg2[%get3A_233, %get3A_234] : memref<200x48xf32, #tpu.memory_space<vmem>>, vector<200x16xf32>
    %dot_general3A_236 = arith.constant dense<0.000000e+00> : vector<200x16xf32>
    %dot_general3A_237 = tpu.matmul %div3A_157, %get3A_220, %dot_general3A_236 {dimension_numbers = #tpu.dot_dimension_numbers<[1], [0], [0], [1], [0, 0, 1, 1], [], []>, transpose_lhs_hint = false} : vector<200x16xf32>, vector<16x16xf32>, vector<200x16xf32> -> vector<200x16xf32>
    %add3A_238 = arith.addf %get3A_235, %dot_general3A_237 : vector<200x16xf32>
    %mul3A_239 = arith.mulf %add3A_226, %add3A_226 : vector<200x16xf32>
    %mul3A_240 = arith.mulf %add3A_232, %add3A_232 : vector<200x16xf32>
    %add3A_241 = arith.addf %mul3A_239, %mul3A_240 : vector<200x16xf32>
    %mul3A_242 = arith.mulf %add3A_238, %add3A_238 : vector<200x16xf32>
    %add3A_243 = arith.addf %add3A_241, %mul3A_242 : vector<200x16xf32>
    %sqrt3A = math.sqrt %add3A_243 : vector<200x16xf32>
    %max3A_244 = arith.constant 9.99999997E-7 : f32
    %max3A_245 = vector.broadcast %max3A_244 : f32 to vector<200x16xf32>
    %max3A_246 = arith.maximumf %sqrt3A, %max3A_245 : vector<200x16xf32>
    %reduce_sum3A_247 = arith.constant dense<0.000000e+00> : vector<200xf32>
    %reduce_sum3A_248 = vector.multi_reduction <add>, %max3A_246, %reduce_sum3A_247 [1] : vector<200x16xf32> to vector<200xf32>
    %broadcast_in_dim3A_249 = vector.shape_cast %reduce_sum3A_248 : vector<200xf32> to vector<200x1xf32>
    %div3A_250 = arith.constant 1.600000e+01 : f32
    %div3A_251 = vector.broadcast %div3A_250 : f32 to vector<200x1xf32>
    %div3A_252 = arith.divf %broadcast_in_dim3A_249, %div3A_251 : vector<200x1xf32>
    %sub3A_253 = vector.broadcast %div3A_252 : vector<200x1xf32> to vector<200x16xf32>
    %sub3A_254 = arith.subf %max3A_246, %sub3A_253 : vector<200x16xf32>
    %integer_pow3A_255 = arith.mulf %sub3A_254, %sub3A_254 : vector<200x16xf32>
    %reduce_sum3A_256 = arith.constant dense<0.000000e+00> : vector<200xf32>
    %reduce_sum3A_257 = vector.multi_reduction <add>, %integer_pow3A_255, %reduce_sum3A_256 [1] : vector<200x16xf32> to vector<200xf32>
    %broadcast_in_dim3A_258 = vector.shape_cast %reduce_sum3A_257 : vector<200xf32> to vector<200x1xf32>
    %div3A_259 = arith.constant 1.600000e+01 : f32
    %div3A_260 = vector.broadcast %div3A_259 : f32 to vector<200x1xf32>
    %div3A_261 = arith.divf %broadcast_in_dim3A_258, %div3A_260 : vector<200x1xf32>
    %sub3A_262 = vector.broadcast %div3A_252 : vector<200x1xf32> to vector<200x16xf32>
    %sub3A_263 = arith.subf %max3A_246, %sub3A_262 : vector<200x16xf32>
    %add3A_264 = arith.constant 9.99999974E-6 : f32
    %add3A_265 = vector.broadcast %add3A_264 : f32 to vector<200x1xf32>
    %add3A_266 = arith.addf %div3A_261, %add3A_265 : vector<200x1xf32>
    %rsqrt3A_267 = math.rsqrt %add3A_266 : vector<200x1xf32>
    %mul3A_268 = vector.broadcast %rsqrt3A_267 : vector<200x1xf32> to vector<200x16xf32>
    %mul3A_269 = arith.mulf %sub3A_263, %mul3A_268 : vector<200x16xf32>
    %get3A_270 = arith.constant 0 : index
    %get3A_271 = arith.constant 0 : index
    %get3A_272 = vector.load %arg28[%get3A_270, %get3A_271] : memref<1x16xf32, #tpu.memory_space<vmem>>, vector<1x16xf32>
    %mul3A_273 = vector.broadcast %get3A_272 : vector<1x16xf32> to vector<200x16xf32>
    %mul3A_274 = arith.mulf %mul3A_269, %mul3A_273 : vector<200x16xf32>
    %get3A_275 = arith.constant 0 : index
    %get3A_276 = arith.constant 0 : index
    %get3A_277 = vector.load %arg29[%get3A_275, %get3A_276] : memref<1x16xf32, #tpu.memory_space<vmem>>, vector<1x16xf32>
    %add3A_278 = vector.broadcast %get3A_277 : vector<1x16xf32> to vector<200x16xf32>
    %add3A_279 = arith.addf %mul3A_274, %add3A_278 : vector<200x16xf32>
    %div3A_280 = arith.divf %add3A_279, %max3A_246 : vector<200x16xf32>
    %mul3A_281 = arith.mulf %add3A_226, %div3A_280 : vector<200x16xf32>
    %swap3A_282 = arith.constant 0 : index
    %swap3A_283 = arith.constant 0 : index
    %swap3A_284 = vector.load %arg31[%swap3A_282, %swap3A_283] : memref<200x16xf32, #tpu.memory_space<vmem>>, vector<200x16xf32>
    tpu.vector_store %arg31[%swap3A_282, %swap3A_283], %mul3A_281 {strides = array<i32>} : memref<200x16xf32, #tpu.memory_space<vmem>>, vector<200x16xf32>,
    %mul3A_285 = arith.mulf %add3A_232, %div3A_280 : vector<200x16xf32>
    %swap3A_286 = arith.constant 0 : index
    %swap3A_287 = arith.constant 0 : index
    %swap3A_288 = vector.load %arg32[%swap3A_286, %swap3A_287] : memref<200x16xf32, #tpu.memory_space<vmem>>, vector<200x16xf32>
    tpu.vector_store %arg32[%swap3A_286, %swap3A_287], %mul3A_285 {strides = array<i32>} : memref<200x16xf32, #tpu.memory_space<vmem>>, vector<200x16xf32>,
    %mul3A_289 = arith.mulf %add3A_238, %div3A_280 : vector<200x16xf32>
    %swap3A_290 = arith.constant 0 : index
    %swap3A_291 = arith.constant 0 : index
    %swap3A_292 = vector.load %arg33[%swap3A_290, %swap3A_291] : memref<200x16xf32, #tpu.memory_space<vmem>>, vector<200x16xf32>
    tpu.vector_store %arg33[%swap3A_290, %swap3A_291], %mul3A_289 {strides = array<i32>} : memref<200x16xf32, #tpu.memory_space<vmem>>, vector<200x16xf32>,
    return
  }
  func.func @transform_0(%arg0: i32) -> (i32, i32) {
    %c0_i32 = arith.constant 0 : i32
    %c0_i32_0 = arith.constant 0 : i32
    return %arg0, %c0_i32 : i32, i32
  }
  func.func @transform_1(%arg0: i32) -> (i32, i32) {
    %c0_i32 = arith.constant 0 : i32
    %c0_i32_0 = arith.constant 0 : i32
    return %arg0, %c0_i32 : i32, i32
  }
  func.func @transform_2(%arg0: i32) -> (i32, i32) {
    %c0_i32 = arith.constant 0 : i32
    %c0_i32_0 = arith.constant 0 : i32
    return %arg0, %c0_i32 : i32, i32
  }
  func.func @transform_3(%arg0: i32) -> (i32, i32) {
    %c0_i32 = arith.constant 0 : i32
    %c0_i32_0 = arith.constant 0 : i32
    return %arg0, %c0_i32 : i32, i32
  }
  func.func @transform_4(%arg0: i32) -> (i32, i32) {
    %c0_i32 = arith.constant 0 : i32
    %c0_i32_0 = arith.constant 0 : i32
    return %arg0, %c0_i32 : i32, i32
  }
  func.func @transform_5(%arg0: i32) -> (i32, i32) {
    %c0_i32 = arith.constant 0 : i32
    %c0_i32_0 = arith.constant 0 : i32
    return %arg0, %c0_i32 : i32, i32
  }
  func.func @transform_6(%arg0: i32) -> (i32, i32) {
    %c0_i32 = arith.constant 0 : i32
    %c0_i32_0 = arith.constant 0 : i32
    %c0_i32_1 = arith.constant 0 : i32
    return %c0_i32, %c0_i32_0 : i32, i32
  }
  func.func @transform_7(%arg0: i32) -> (i32, i32) {
    %c0_i32 = arith.constant 0 : i32
    %c0_i32_0 = arith.constant 0 : i32
    %c0_i32_1 = arith.constant 0 : i32
    return %c0_i32, %c0_i32_0 : i32, i32
  }
  func.func @transform_8(%arg0: i32) -> (i32, i32) {
    %c0_i32 = arith.constant 0 : i32
    %c0_i32_0 = arith.constant 0 : i32
    %c0_i32_1 = arith.constant 0 : i32
    return %c0_i32, %c0_i32_0 : i32, i32
  }
  func.func @transform_9(%arg0: i32) -> (i32, i32) {
    %c0_i32 = arith.constant 0 : i32
    %c0_i32_0 = arith.constant 0 : i32
    %c0_i32_1 = arith.constant 0 : i32
    return %c0_i32, %c0_i32_0 : i32, i32
  }
  func.func @transform_10(%arg0: i32) -> (i32, i32) {
    %c0_i32 = arith.constant 0 : i32
    %c0_i32_0 = arith.constant 0 : i32
    %c0_i32_1 = arith.constant 0 : i32
    return %c0_i32, %c0_i32_0 : i32, i32
  }
  func.func @transform_11(%arg0: i32) -> (i32, i32) {
    %c0_i32 = arith.constant 0 : i32
    %c0_i32_0 = arith.constant 0 : i32
    %c0_i32_1 = arith.constant 0 : i32
    return %c0_i32, %c0_i32_0 : i32, i32
  }
  func.func @transform_12(%arg0: i32) -> (i32, i32) {
    %c0_i32 = arith.constant 0 : i32
    %c0_i32_0 = arith.constant 0 : i32
    %c0_i32_1 = arith.constant 0 : i32
    return %c0_i32, %c0_i32_0 : i32, i32
  }
  func.func @transform_13(%arg0: i32) -> (i32, i32) {
    %c0_i32 = arith.constant 0 : i32
    %c0_i32_0 = arith.constant 0 : i32
    %c0_i32_1 = arith.constant 0 : i32
    return %c0_i32, %c0_i32_0 : i32, i32
  }
  func.func @transform_14(%arg0: i32) -> (i32, i32) {
    %c0_i32 = arith.constant 0 : i32
    %c0_i32_0 = arith.constant 0 : i32
    %c0_i32_1 = arith.constant 0 : i32
    return %c0_i32, %c0_i32_0 : i32, i32
  }
  func.func @transform_15(%arg0: i32) -> (i32, i32) {
    %c0_i32 = arith.constant 0 : i32
    %c0_i32_0 = arith.constant 0 : i32
    %c0_i32_1 = arith.constant 0 : i32
    return %c0_i32, %c0_i32_0 : i32, i32
  }
  func.func @transform_16(%arg0: i32) -> (i32, i32) {
    %c0_i32 = arith.constant 0 : i32
    %c0_i32_0 = arith.constant 0 : i32
    %c0_i32_1 = arith.constant 0 : i32
    return %c0_i32, %c0_i32_0 : i32, i32
  }
  func.func @transform_17(%arg0: i32) -> (i32, i32) {
    %c0_i32 = arith.constant 0 : i32
    %c0_i32_0 = arith.constant 0 : i32
    %c0_i32_1 = arith.constant 0 : i32
    return %c0_i32, %c0_i32_0 : i32, i32
  }
  func.func @transform_18(%arg0: i32) -> (i32, i32) {
    %c0_i32 = arith.constant 0 : i32
    %c0_i32_0 = arith.constant 0 : i32
    %c0_i32_1 = arith.constant 0 : i32
    return %c0_i32, %c0_i32_0 : i32, i32
  }
  func.func @transform_19(%arg0: i32) -> (i32, i32) {
    %c0_i32 = arith.constant 0 : i32
    %c0_i32_0 = arith.constant 0 : i32
    %c0_i32_1 = arith.constant 0 : i32
    return %c0_i32, %c0_i32_0 : i32, i32
  }
  func.func @transform_20(%arg0: i32) -> (i32, i32) {
    %c0_i32 = arith.constant 0 : i32
    %c0_i32_0 = arith.constant 0 : i32
    %c0_i32_1 = arith.constant 0 : i32
    return %c0_i32, %c0_i32_0 : i32, i32
  }
  func.func @transform_21(%arg0: i32) -> (i32, i32) {
    %c0_i32 = arith.constant 0 : i32
    %c0_i32_0 = arith.constant 0 : i32
    %c0_i32_1 = arith.constant 0 : i32
    return %c0_i32, %c0_i32_0 : i32, i32
  }
  func.func @transform_22(%arg0: i32) -> (i32, i32) {
    %c0_i32 = arith.constant 0 : i32
    %c0_i32_0 = arith.constant 0 : i32
    %c0_i32_1 = arith.constant 0 : i32
    return %c0_i32, %c0_i32_0 : i32, i32
  }
  func.func @transform_23(%arg0: i32) -> (i32, i32) {
    %c0_i32 = arith.constant 0 : i32
    %c0_i32_0 = arith.constant 0 : i32
    %c0_i32_1 = arith.constant 0 : i32
    return %c0_i32, %c0_i32_0 : i32, i32
  }
  func.func @transform_24(%arg0: i32) -> (i32, i32) {
    %c0_i32 = arith.constant 0 : i32
    %c0_i32_0 = arith.constant 0 : i32
    %c0_i32_1 = arith.constant 0 : i32
    return %c0_i32, %c0_i32_0 : i32, i32
  }
  func.func @transform_25(%arg0: i32) -> (i32, i32) {
    %c0_i32 = arith.constant 0 : i32
    %c0_i32_0 = arith.constant 0 : i32
    %c0_i32_1 = arith.constant 0 : i32
    return %c0_i32, %c0_i32_0 : i32, i32
  }
  func.func @transform_26(%arg0: i32) -> (i32, i32) {
    %c0_i32 = arith.constant 0 : i32
    %c0_i32_0 = arith.constant 0 : i32
    %c0_i32_1 = arith.constant 0 : i32
    return %c0_i32, %c0_i32_0 : i32, i32
  }
  func.func @transform_27(%arg0: i32) -> (i32, i32) {
    %c0_i32 = arith.constant 0 : i32
    %c0_i32_0 = arith.constant 0 : i32
    %c0_i32_1 = arith.constant 0 : i32
    return %c0_i32, %c0_i32_0 : i32, i32
  }
  func.func @transform_28(%arg0: i32) -> (i32, i32) {
    %c0_i32 = arith.constant 0 : i32
    %c0_i32_0 = arith.constant 0 : i32
    %c0_i32_1 = arith.constant 0 : i32
    return %c0_i32, %c0_i32_0 : i32, i32
  }
  func.func @transform_29(%arg0: i32) -> (i32, i32) {
    %c0_i32 = arith.constant 0 : i32
    %c0_i32_0 = arith.constant 0 : i32
    return %arg0, %c0_i32 : i32, i32
  }
  func.func @transform_30(%arg0: i32) -> (i32, i32) {
    %c0_i32 = arith.constant 0 : i32
    %c0_i32_0 = arith.constant 0 : i32
    return %arg0, %c0_i32 : i32, i32
  }
  func.func @transform_31(%arg0: i32) -> (i32, i32) {
    %c0_i32 = arith.constant 0 : i32
    %c0_i32_0 = arith.constant 0 : i32
    return %arg0, %c0_i32 : i32, i32
  }
  func.func @transform_32(%arg0: i32) -> (i32, i32) {
    %c0_i32 = arith.constant 0 : i32
    %c0_i32_0 = arith.constant 0 : i32
    return %arg0, %c0_i32 : i32, i32
  }
}

</mosaic_0001>

<sc_bundles>
// kernel: kernel.4.cloned.1.call-start
scs
__scs_entry_jumppad:
0x0: {  	(pc) =	sbr.rel $0x88, $3  }
0x1: {  	(tag) =	ssettag $0x0;
	lr =	simm.s32 $0x1  }
0x2: {  	[smem:$0x3F8C] =	sst lr;
	_ =	strace $0xD0000000  }
0x3: {  	_ = 	snop  }
0x4: {  	_ = 	snop  }
0x5: {  	_ = 	snop  }
0x6: {  	_ = 	snop  }
0x7: {  	_ = 	snop  }
__scs_overlays_trampoline_lowered:
0x8: {  	[smem:$0x3F9B] =	sst s0  }
0x9: {  	[smem:$0x3F9C] =	sst s1  }
0xa: {  	[smem:$0x3F9D] =	sst s2  }
0xb: {  	[smem:$0x3F9E] =	sst s3  }
0xc: {  	[smem:$0x3F9F] =	sst s4  }
0xd: {  	[smem:$0x3FA0] =	sst s5  }
0xe: {  	[smem:$0x3FA1] =	sst s6  }
0xf: {  	[smem:$0x3FA2] =	sst s7  }
0x10: {  	[smem:$0x3FA3] =	sst s8  }
0x11: {  	[smem:$0x3FA4] =	sst s9;
	s0 =	simm.s32 @!p0 $0x0  }
0x12: {  	s1 =	sld [smem:$0x3F8A];
	s0 =	simm.s32 @p0 $0x1  }
0x13: {  	[smem:$0x3FA5] =	sst s0;
	s0 =	simm.s32 @!p1 $0x0  }
0x14: {  	s2 =	sld [smem:$0x3F89];
	s0 =	simm.s32 @p1 $0x1  }
0x15: {  	[smem:$0x3FA6] =	sst s0;
	s0 =	simm.s32 @!p2 $0x0  }
0x16: {  	s3 =	sld [smem:$0x3FDB];
	s0 =	simm.s32 @p2 $0x1  }
0x17: {  	s4 =	simm.s32 $0x1BF5;
	[smem:$0x3FA8] =	sst s0  }
0x18: {  	s0 =	sld [smem:$0x3F8B];
	_ =	swait.ge [sflag:s4], $0x0  }
0x19: {  	s7 =	sld [smem:$0x3F8C]  }
0x1a: {  	s8 =	sadd.s32 $0xFFFFE003, lr  }
0x1b: {  	s9 =	sadd.s32 $0xFFFFFEF7, lr;
	s5 =	simm.s32 $0xFFFFFFFF;
	p2 =	slt.u32 s8, $0xFFFFF086  }
0x1c: {  	p1 =	slt.u32 s9, $0xF7A;
	s5 =	simm.s32 @!p2 $0x0  }
0x1d: {  	s5 =	simm.s32 @p1 $0x1;
	p0 =	seq.s32 s7, s2  }
0x1e: {  	s7 =	smul.u32 @!p0 $0xF7A, s2;
	p2 =	seq.s32 @!p0 s5, $0x0  }
0x1f: {  	s9 =	smul.u32 $0xF7A, s1;
	s8 =	simm.s32 @!p0 $0x1BF5;
	p2 =	por !p2, p0  }
0x20: {  	[sflag:s8] =	ssyncset.s32 @!p0 $0xFFFFF086;
	s6 =	sadd.s32 @!p0 s3, s7;
	s7 =	simm.s32 @!p0 $0x108  }
0x21: {  	s3 =	sadd.s32 s3, s9;
	s6 =	sadd.s32 @!p0 $0x88, s6;
	s7 =	simm.s32 @p2 $0x1082  }
0x22: {  	[simem:s7], [sflag:s8] =	dma.local @!p0 [hbm:s6], $0xF7A  }
0x23: {  	s9 =	sor.u32 $0xD0000000, s2;
	s6 =	simm.s32 $0x108;
	_ =	swait.ge @!p0 [sflag:s8], $0x0  }
0x24: {  	s3 =	sadd.s32 $0x88, s3;
	s6 =	simm.s32 @!p1 $0x1082;
	[sflag:s4] =	ssyncset.s32 $0xFFFFF086  }
0x25: {  	[simem:s6], [sflag:s4] =	dma.local [hbm:s3], $0xF7A  }
0x26: {  	[smem:$0x3F8C] =	sst s1;
	(tag) =	ssettag s2;
	_ =	strace s9  }
0x27: {  	s1 =	sld [smem:$0x3F9C]  }
0x28: {  	s2 =	sld [smem:$0x3F9D]  }
0x29: {  	s4 =	sld [smem:$0x3F9F]  }
0x2a: {  	p0 =	seq.s32 s5, $0x0;
	s5 =	sld [smem:$0x3FA0]  }
0x2b: {  	s6 =	sld [smem:$0x3FA1]  }
0x2c: {  	s7 =	sld [smem:$0x3FA2]  }
0x2d: {  	s3 =	simm.s32 $0x108;
	s8 =	sld [smem:$0x3FA3]  }
0x2e: {  	s3 =	simm.s32 @!p0 $0x1082;
	s9 =	sld [smem:$0x3FA4]  }
0x2f: {  	lr =	sadd.s32 s0, s3;
	s0 =	sld [smem:$0x3F9B]  }
0x30: {  	s3 =	sld [smem:$0x3F9E]  }
0x31: {  	[smem:$0x3FA7] =	sst s10  }
0x32: {  	s10 =	sld [smem:$0x3FA5];
	_ =	sdelay $0x3  }
0x33: {  	p0 =	seq.s32 s10, $0x1;
	s10 =	sld [smem:$0x3FA7];
	_ =	sdelay $0x3  }
0x34: {  	[smem:$0x3FA7] =	sst s10  }
0x35: {  	s10 =	sld [smem:$0x3FA6];
	_ =	sdelay $0x3  }
0x36: {  	p1 =	seq.s32 s10, $0x1;
	s10 =	sld [smem:$0x3FA7];
	_ =	sdelay $0x3  }
0x37: {  	[smem:$0x3FA7] =	sst s10  }
0x38: {  	s10 =	sld [smem:$0x3FA8]  }
0x39: {  	_ = 	snop;
	(pc) =	sbr.ind lr, $3  }
0x3a: {  	_ = 	snop  }
0x3b: {  	_ = 	snop  }
0x3c: {  	p2 =	seq.s32 s10, $0x1;
	s10 =	sld [smem:$0x3FA7]  }
0x3d: {  	_ =	shalt  }
0x3e: {  	_ =	shalt  }
0x3f: {  	_ =	shalt  }
0x40: {  	_ =	shalt  }
0x41: {  	_ =	shalt  }
0x42: {  	_ =	shalt  }
0x43: {  	_ =	shalt  }
0x44: {  	_ =	shalt  }
0x45: {  	_ =	shalt  }
0x46: {  	_ =	shalt  }
0x47: {  	_ =	shalt  }
0x48: {  	_ =	shalt  }
0x49: {  	_ =	shalt  }
0x4a: {  	_ =	shalt  }
0x4b: {  	_ =	shalt  }
0x4c: {  	_ =	shalt  }
0x4d: {  	_ =	shalt  }
0x4e: {  	_ =	shalt  }
0x4f: {  	_ =	shalt  }
0x50: {  	_ =	shalt  }
0x51: {  	_ =	shalt  }
0x52: {  	_ =	shalt  }
0x53: {  	_ =	shalt  }
0x54: {  	_ =	shalt  }
0x55: {  	_ =	shalt  }
0x56: {  	_ =	shalt  }
0x57: {  	_ =	shalt  }
0x58: {  	_ =	shalt  }
0x59: {  	_ =	shalt  }
0x5a: {  	_ =	shalt  }
0x5b: {  	_ =	shalt  }
0x5c: {  	_ =	shalt  }
0x5d: {  	_ =	shalt  }
0x5e: {  	_ =	shalt  }
0x5f: {  	_ =	shalt  }
0x60: {  	_ =	shalt  }
0x61: {  	_ =	shalt  }
0x62: {  	_ =	shalt  }
0x63: {  	_ =	shalt  }
0x64: {  	_ =	shalt  }
0x65: {  	_ =	shalt  }
0x66: {  	_ =	shalt  }
0x67: {  	_ =	shalt  }
0x68: {  	_ =	shalt  }
0x69: {  	_ =	shalt  }
0x6a: {  	_ =	shalt  }
0x6b: {  	_ =	shalt  }
0x6c: {  	_ =	shalt  }
0x6d: {  	_ =	shalt  }
0x6e: {  	_ =	shalt  }
0x6f: {  	_ =	shalt  }
0x70: {  	_ =	shalt  }
0x71: {  	_ =	shalt  }
0x72: {  	_ =	shalt  }
0x73: {  	_ =	shalt  }
0x74: {  	_ =	shalt  }
0x75: {  	_ =	shalt  }
0x76: {  	_ =	shalt  }
0x77: {  	_ =	shalt  }
0x78: {  	_ =	shalt  }
0x79: {  	_ =	shalt  }
0x7a: {  	_ =	shalt  }
0x7b: {  	_ =	shalt  }
0x7c: {  	_ =	shalt  }
0x7d: {  	_ =	shalt  }
0x7e: {  	_ =	shalt  }
0x7f: {  	_ =	shalt  }
0x80: {  	_ =	shalt  }
0x81: {  	_ =	shalt  }
0x82: {  	_ =	shalt  }
0x83: {  	_ =	shalt  }
0x84: {  	_ =	shalt  }
0x85: {  	_ =	shalt  }
0x86: {  	_ =	shalt  }
0x87: {  	_ =	shalt  }
.Lfunc_end0:
.L_simem_size_0:
called_computation_lowered:
.L_overlay_start_0:
0x88: {  	s2 =	sld [smem:$0x3FD9]  }
0x89: {  	s3 =	sld [smem:$0x3FFE];
	_ =	sdelay $0x1  }
0x8a: {  	s1 =	srdreg.scid  }
0x8b: {  	s0 =	sand.u32 $0x1, s1  }
0x8c: {  	s14 =	sshll.u32 s0, $0xA;
	s2 =	sadd.s32 s3, s2  }
0x8d: {  	s2 =	sadd.s32 s2, s14  }
0x8e: {  	[smem:$0x3FB3] =	sst s2  }
0x8f: {  	_ = 	snop  }
0x90: {  	s2 =	sld [smem:$0x3FD0];
	_ =	sdelay $0x2  }
0x91: {  	s15 =	simm.s32 $0xA;
	s4 =	simm.s32 $0x10  }
0x92: {  	[smem:s4], [sflag:s15] =	dma.local [hbm:s2], $0x1  }
0x93: {  	_ =	swait.eq [sflag:s15], $0x1  }
0x94: {  	[sflag:s15] =	ssyncset.done $0x0  }
0x95: {  	[sflag:s15] =	ssyncadd.s32 $0xFFFFFFFF  }
0x96: {  	s16 =	sld [smem:$0x11];
	(tm) =	ssettm $0x1  }
0x97: {  	s17 =	sld [smem:$0x3FFB];
	_ =	sdelay $0x3  }
0x98: {  	_ =	strace s17  }
0x99: {  	s3 =	sld [smem:$0x3FFC];
	_ =	sdelay $0x3  }
0x9a: {  	_ =	strace s3  }
0x9b: {  	s3 =	sld [smem:$0x3FFD];
	_ =	sdelay $0x3  }
0x9c: {  	_ =	strace s3  }
0x9d: {  	_ =	strace $0x8FFFFFFF  }
0x9e: {  	s18 =	sld [smem:$0x3FDB];
	_ =	sdelay $0x1  }
0x9f: {  	s19 =	simm.s32 $_scs_section_size  }
0xa0: {  	s5 =	simm.s32 $_size__tile_overlayer_lowered;
	s6 =	simm.s32 $_tile_overlayer_lowered  }
0xa1: {  	s22 =	simm.s32 $0x1BFF;
	s21 =	sshll.u32 s6, $0x1;
	s3 =	sadd.s32 s19, s18  }
0xa2: {  	s7 =	simm.s32 $0x0;
	s20 =	sshll.u32 s5, $0x1;
	s5 =	sadd.s32 s21, s3  }
0xa3: {  	[timem:s7], [sflag:s22] =	dma.local [hbm:s5], s20  }
0xa4: {  	_ =	swait.ge [sflag:s22], s20  }
0xa5: {  	s4 =	ssub.s32 $0x0, s20;
	[sflag:s22] =	ssyncset.done $0x0  }
0xa6: {  	[sflag:s22] =	ssyncadd.s32 s4;
	_ =	sdelay $0x1  }
0xa7: {  	s23 =	simm.s32 $0x1B8B  }
0xa8: {  	_ =	swait.ge [sflag:s23], $0x1  }
0xa9: {  	[sflag:s23] =	ssyncset.done $0x0  }
0xaa: {  	s25 =	simm.s32 $0x1B8E;
	s24 =	sld [smem:$0x3FFE];
	[sflag:s23] =	ssyncadd.s32 $0xFFFFFFFF  }
0xab: {  	s26 =	simm.s32 $execute0_lowered;
	[smem:$0x3FD2] =	sst s25  }
0xac: {  	s5 =	sshll.u32 s26, $0x1;
	_ =	strace $0x80000046;
	[dreg:$0x1] =	wrdreg $0xFFFFFFFF  }
0xad: {  	s28 =	simm.s32 $_size_execute0_lowered;
	s3 =	sadd.s32 s3, s5;
	[dreg:$0x0] =	wrdreg $0x0  }
0xae: {  	s5 =	sshll.u32 s28, $0x1;
	[dreg:$0x2] =	wrdreg s3  }
0xaf: {  	[dreg:$0x3] =	wrdreg s5  }
0xb0: {  	[dreg:$0x4] =	wrdreg $0xC0  }
0xb1: {  	_ =	task [dreg:s7], $0x5FFFF  }
0xb2: {  	[dreg:$0x1] =	wrdreg $0xFFFFFFFF  }
0xb3: {  	[dreg:$0x0] =	wrdreg $0x60  }
0xb4: {  	[dreg:$0x2] =	wrdreg s24  }
0xb5: {  	[dreg:$0x3] =	wrdreg s16  }
0xb6: {  	[dreg:$0x4] =	wrdreg $0x9  }
0xb7: {  	_ =	task.clear_ibuf [dreg:s7], $0x5FFFF;
	_ =	strace $0x90000046  }
0xb8: {  	s29 =	simm.s32 $0x9;
	_ =	strace $0x80000048  }
0xb9: {  	_ =	swait.ge [sflag:s29], $0x1  }
0xba: {  	[sflag:s29] =	ssyncadd.s32 $0xFFFFFFFF  }
0xbb: {  	_ =	strace $0x90000048  }
0xbc: {  	_ =	sfence  }
0xbd: {  	s30 =	sld [smem:$0x0];
	_ =	sdelay $0x2  }
0xbe: {  	s31 =	sshll.u32 s1, $0xD;
	s1 =	sshrl.u32 s1, $0x2  }
0xbf: {  	s3 =	sand.u32 $0x4000, s31;
	s1 =	sadd.s32 s1, s30  }
0xc0: {  	s0 =	sor.u32 s3, s0;
	s1 =	sshll.u32 s1, $0x11  }
0xc1: {  	s0 =	sor.u32 s1, s0  }
0xc2: {  	s0 =	sadd.s32 $0x8F2B, s0  }
0xc3: {  	[sflag:s0] =	ssyncadd.remote.s32 $0x1  }
0xc4: {  	_ =	sfence.sel $0xFFFF  }
0xc5: {  	[dreg:$0x0] =	wrdreg $0xFFFFFFFF;
	(pc) =	sbr.abs _section_cstart, $3  }
0xc6: {  	[dreg:$0x1] =	wrdreg $0xFFFFFFFF  }
0xc7: {  	_ =	task.clear_ibuf [dreg:s7], $0x2FFFF;
	_ =	strace $0x9FFFFFFF  }
0xc8: {  	(tm) =	ssettm $0x7FFFFFFF  }
0xc9: {  	_ =	shalt  }
tec
execute0_lowered:
.L_overlay_start_1:
0x0: {  	(tag) =	ssettag $0x1  }
0x1: {  	s4 =	rddreg [dreg:$0x0]  }
0x2: {  	s5 =	rddreg [dreg:$0x1]  }
0x3: {  	s0 =	rddreg [dreg:$0x2]  }
0x4: {  	s2 =	simm.s32 $0x0;
	s3 =	srdreg.scid;
	s1 =	stileid.u32  }
0x5: {  	[smem:$0x7FF] =	sst s2;
	s6 =	sand.u32 $0x1, s3;
	s3 =	sadd.s32 $0xA3800, s4  }
0x6: {  	s7 =	sshll.u32 s1, $0xC;
	s31 =	sshll.u32 s1, $0x5;
	_ =	strace $0x80000047  }
0x7: {  	s8 =	ssub.s32 $0x2, s6;
	s4 =	sadd.s32 s7, s4;
	s9 =	sshll.u32 s6, $0xB  }
0x8: {  	s10 =	sshll.u32 s6, $0x4;
	s29 =	sshrl.u32 s8, $0x1;
	s30 =	sadd.s32 s9, s4  }
0x9: {  	s4 =	sshll.u32 s1, $0x1;
	s9 =	sadd.s32 s31, s5;
	s7 =	ssub.s32 s8, s29  }
0xa: {  	s6 =	sadd.s32 $0xF1A00, s30;
	s5 =	smax.u32 s7, $0x1;
	s7 =	sadd.s32 s10, s9  }
.LBB2_1:
0xb: {  	s8 =	sadd.s32 $0x0, s4  }
0xc: {  	p0 =	sgt.u32 s8, $0x9C3  }
0xd: {  	s8 =	simm.s32 @!p0 $0x0;
	s9 =	simm.s32 @!p0 $0x3  }
0xe: {  	[tilespmem:s8], [sflag:$0x3] =	stream.linear.gather @!p0 [hbm4b:s7+s8], $0x80, $0x38;
	[tilespmem:$0x4080] =	vst v63  }
0xf: {  	_ =	swait.ge @!p0 [sflag:s9], $0x80  }
0x10: {  	[sflag:s9] =	ssyncset.done @!p0 $0x0;
	p0 =	por p0, p0  }
0x11: {  	[sflag:s9] =	ssyncadd.s32 @!p0 $0xFFFFFF80;
	s10 =	simm.s32 @!p0 $0x80;
	s11 =	simm.s32 @!p0 $0x1  }
0x12: {  	[tilespmem:s10], [sflag:$0x1] =	stream.indirect.gather @!p0 [hbm4b:s3+s10], $0x80, s8, s10, $0xb8;
	[tilespmem:$0x4080] =	vst v63  }
0x13: {  	_ =	swait.ge @!p0 [sflag:s11], $0x4000  }
0x14: {  	[sflag:s11] =	ssyncset.done @!p0 $0x0  }
0x15: {  	s31 =	sadd.s32 $0x20, s4;
	[sflag:s11] =	ssyncadd.s32 @!p0 $0xFFFFC000;
	s11 =	simm.s32 @!p0 $0x2  }
0x16: {  	[hbm4b:s6+s8] =	stream.linear.scatter @!p0 [tilespmem:s10], [sflag:$0x2], $0x4000, $0x38;
	[tilespmem:$0x4080] =	vst v63  }
0x17: {  	p1 =	sgt.u32 s31, $0x9C3;
	s9 =	simm.s32 $0x40;
	_ =	swait.ge @!p0 [sflag:s11], $0x4000  }
0x18: {  	s10 =	sadd.s32 $0x200, s7;
	s8 =	sadd.s32 $0x10000, s6;
	[sflag:s11] =	ssyncset.done @!p0 $0x0  }
.LBB2_2:
0x19: {  	s12 =	simm.s32 @!p1 $0x0;
	s13 =	simm.s32 @!p1 $0x3;
	[sflag:s11] =	ssyncadd.s32 @!p0 $0xFFFFC000  }
0x1a: {  	[tilespmem:s12], [sflag:$0x3] =	stream.linear.gather @!p1 [hbm4b:s10+s12], $0x80, $0x38;
	[tilespmem:$0x4080] =	vst v63  }
0x1b: {  	s14 =	smov.u32 s9;
	s9 =	sadd.s32 $0x20, s9;
	_ =	swait.ge @!p1 [sflag:s13], $0x80  }
0x1c: {  	p0 =	por p1, p1;
	p2 =	sne.s32 s9, $0x9E0;
	[sflag:s13] =	ssyncset.done @!p1 $0x0  }
0x1d: {  	s11 =	simm.s32 @!p0 $0x1;
	[sflag:s13] =	ssyncadd.s32 @!p0 $0xFFFFFF80;
	s13 =	simm.s32 @!p0 $0x80  }
0x1e: {  	[tilespmem:s13], [sflag:$0x1] =	stream.indirect.gather @!p0 [hbm4b:s3+s13], $0x80, s12, s13, $0xb8;
	[tilespmem:$0x4080] =	vst v63  }
0x1f: {  	_ =	swait.ge @!p0 [sflag:s11], $0x4000  }
.Ltmp0:
0x20: {  	[sflag:s11] =	ssyncset.done @!p0 $0x0;
	(pc) =	sbr.rel @p2 .LBB2_2-.Ltmp0, $4  }
0x21: {  	[sflag:s11] =	ssyncadd.s32 @!p0 $0xFFFFC000;
	s11 =	simm.s32 @!p0 $0x2  }
0x22: {  	[hbm4b:s8+s12] =	stream.linear.scatter @!p0 [tilespmem:s13], [sflag:$0x2], $0x4000, $0x38;
	[tilespmem:$0x4080] =	vst v63  }
0x23: {  	s10 =	sadd.s32 $0x200, s10;
	s12 =	sadd.s32 s14, s4;
	_ =	swait.ge @!p0 [sflag:s11], $0x4000  }
0x24: {  	s8 =	sadd.s32 $0x10000, s8;
	p1 =	sgt.u32 s12, $0x9C3;
	[sflag:s11] =	ssyncset.done @!p0 $0x0  }
0x25: {  	s9 =	simm.s32 @!p1 $0x0;
	s12 =	simm.s32 @!p1 $0x3;
	[sflag:s11] =	ssyncadd.s32 @!p0 $0xFFFFC000  }
0x26: {  	[tilespmem:s9], [sflag:$0x3] =	stream.linear.gather @!p1 [hbm4b:s10+s9], $0x80, $0x38;
	[tilespmem:$0x4080] =	vst v63  }
0x27: {  	_ =	swait.ge @!p1 [sflag:s12], $0x80  }
0x28: {  	p0 =	por p1, p1;
	[sflag:s12] =	ssyncset.done @!p1 $0x0  }
0x29: {  	s10 =	simm.s32 @!p0 $0x80;
	s11 =	simm.s32 @!p0 $0x1;
	[sflag:s12] =	ssyncadd.s32 @!p0 $0xFFFFFF80  }
0x2a: {  	[tilespmem:s10], [sflag:$0x1] =	stream.indirect.gather @!p0 [hbm4b:s3+s10], $0x80, s9, s10, $0xb8;
	[tilespmem:$0x4080] =	vst v63  }
0x2b: {  	s2 =	sadd.s32 $0x1, s2;
	_ =	swait.ge @!p0 [sflag:s11], $0x4000  }
0x2c: {  	p1 =	sne.s32 s2, s5;
	[sflag:s11] =	ssyncset.done @!p0 $0x0  }
.Ltmp1:
0x2d: {  	[sflag:s11] =	ssyncadd.s32 @!p0 $0xFFFFC000;
	s11 =	simm.s32 @!p0 $0x2;
	(pc) =	sbr.rel @p1 .LBB2_1-.Ltmp1, $4  }
0x2e: {  	[hbm4b:s8+s9] =	stream.linear.scatter @!p0 [tilespmem:s10], [sflag:$0x2], $0x4000, $0x38;
	[tilespmem:$0x4080] =	vst v63  }
0x2f: {  	_ =	swait.ge @!p0 [sflag:s11], $0x4000  }
0x30: {  	[sflag:s11] =	ssyncset.done @!p0 $0x0  }
0x31: {  	[sflag:s11] =	ssyncadd.s32 @!p0 $0xFFFFC000  }
0x32: {  	_ =	sfence.sel $0x180000  }
0x33: {  	[bflag:$0x0] =	sbarrier.arrive $0xFFFF  }
0x34: {  	p0 =	sne.s32 s1, $0x0;
	_ =	strace $0x90000047  }
0x35: {  	s0 =	sadd.s32 @!p0 $0x100000, s0;
	[bflag:$0x2] =	sbarrier.arrive $0xFFFF  }
0x36: {  	[sflag:s0] =	ssyncadd.tile.s32 @!p0 $0x1;
	_ =	shalt  }
.Lfunc_end2:
_tile_overlayer_lowered:
.L_overlay_start_2:
0x37: {  	(tag) =	ssettag $0x2  }
0x38: {  	s0 =	rddreg [dreg:$0x0];
	s2 =	stileid.u32  }
0x39: {  	s1 =	rddreg [dreg:$0x1];
	p0 =	sne.s32 s2, $0x0  }
0x3a: {  	s3 =	rddreg [dreg:$0x2];
	[bflag:$0x3] =	sbarrier.arrive $0xFFFF;
	s2 =	simm.s32 @!p0 $0x1C02  }
0x3b: {  	[timem:s3], [sflag:s2] =	dma.local @!p0 [hbm:s0], s1  }
0x3c: {  	s0 =	simm.s32 @!p0 $0x2  }
0x3d: {  	_ =	swait.ge @!p0 [sflag:s0], s1  }
0x3e: {  	s1 =	ssub.s32 @!p0 $0x0, s1;
	[sflag:s0] =	ssyncset.done @!p0 $0x0  }
0x3f: {  	[sflag:s0] =	ssyncadd.s32 @!p0 s1  }
0x40: {  	[bflag:$0x3] =	sbarrier.arrive $0xFFFF  }
0x41: {  	_ =	shalt  }

</sc_bundles>
